<compile_context>
chip_gen: v7x
topology: tpu7x:2x2x1
jax: 0.10.2.dev20260603
libtpu: 0.0.44.dev20260713+nightly
codegen_flags: <defaults>
</compile_context>

<pallas_src>
import jax
import jax.numpy as jnp
from jax import lax
from jax.experimental import pallas as pl
from jax.experimental.pallas import tpu as pltpu
from jax.experimental.pallas import tpu_sc as plsc

N_PATIENTS = 100000
EMB_DIM = 64
B = 16384
NC = 2
NS = 16
NW = NC * NS
BPW = B // NW
CHUNK = 128
NCH = BPW // CHUNK
L = 16


def _body(weeks_h, age_h, fvc_h, pid_h, sx_h, sk_h, wbw_h, wba_h,
          alpha_h, gamma_h, sex_h, smk_h, wc_h, out_h,
          idx_v, al_v, gm_v, wk_v, ag_v, fv_v, sx_v, sk_v, out_v,
          st_v, sm_v, wc_v, wbw_v, wba_v, comb_v, gsem, ssem):
    wid = lax.axis_index("s") * NC + lax.axis_index("c")
    base = wid * BPW
    sl_w = pl.ds(base, BPW)

    pltpu.sync_copy(pid_h.at[wid], idx_v)
    gathers = []
    for j in range(NCH):
        gathers.append(pltpu.async_copy(
            alpha_h.at[idx_v.at[j]], al_v.at[pl.ds(j * CHUNK, CHUNK)], gsem))
        gathers.append(pltpu.async_copy(
            gamma_h.at[idx_v.at[j]], gm_v.at[pl.ds(j * CHUNK, CHUNK)], gsem))
    stages = [
        pltpu.async_copy(sex_h, st_v, ssem),
        pltpu.async_copy(smk_h, sm_v, ssem),
        pltpu.async_copy(wc_h, wc_v, ssem),
        pltpu.async_copy(wbw_h, wbw_v, ssem),
        pltpu.async_copy(wba_h, wba_v, ssem),
        pltpu.async_copy(weeks_h.at[sl_w], wk_v, ssem),
        pltpu.async_copy(age_h.at[sl_w], ag_v, ssem),
        pltpu.async_copy(fvc_h.at[sl_w], fv_v, ssem),
        pltpu.async_copy(sx_h.at[sl_w], sx_v, ssem),
        pltpu.async_copy(sk_h.at[sl_w], sk_v, ssem),
    ]

    lanes = lax.broadcasted_iota(jnp.int32, (L,), 0)
    zeros = lanes - lanes

    for c in stages:
        c.wait()

    def dot_row(tab_ref, row, off):
        acc = tab_ref[row, pl.ds(0, L)] * wc_v[pl.ds(off, L)]
        for t in range(1, EMB_DIM // L):
            acc = acc + tab_ref[row, pl.ds(t * L, L)] * wc_v[pl.ds(off + t * L, L)]
        return jnp.sum(acc)

    sexp = [dot_row(st_v, j, 0) for j in range(3)]
    smkp = [dot_row(sm_v, m, EMB_DIM) for m in range(4)]

    jj = lanes // 4
    mm = lanes - jj * 4
    sexv = jnp.where(jj == 0, sexp[0], jnp.where(jj == 1, sexp[1], sexp[2]))
    smkv = jnp.where(mm == 0, smkp[0],
                     jnp.where(mm == 1, smkp[1],
                               jnp.where(mm == 2, smkp[2], smkp[3])))
    comb_v[...] = sexv + smkv

    wbw = plsc.load_gather(wbw_v, [zeros])
    wba = plsc.load_gather(wba_v, [zeros])

    def dense_pass(g, carry):
        sl = pl.ds(g * L, L)
        cid = sx_v[sl] * 4 + sk_v[sl]
        catv = plsc.load_gather(comb_v, [cid])
        out_v[sl] = (fv_v[sl] + wk_v[sl] * wbw + ag_v[sl] * wba + catv)
        return carry

    lax.fori_loop(0, BPW // L, dense_pass, 0, unroll=4)

    for c in gathers:
        c.wait()

    def patient_pass(g, carry):
        sl = pl.ds(g * L, L)
        out_v[sl] = out_v[sl] + al_v[sl] + gm_v[sl] * wk_v[sl]
        return carry

    lax.fori_loop(0, BPW // L, patient_pass, 0, unroll=4)

    pltpu.sync_copy(out_v, out_h.at[sl_w])


def kernel(weeks, age, baseline_fvc, pid, sex_id, smk_id,
           W_bw, W_ba, alpha_tab, gamma_tab, sex_tab, smk_tab, W_cat):
    f32 = jnp.float32
    weeks1 = weeks.reshape(B)
    age1 = age.reshape(B)
    fvc1 = baseline_fvc.reshape(B)
    pid3 = pid.astype(jnp.int32).reshape(NW, NCH, CHUNK)
    sx1 = sex_id.astype(jnp.int32).reshape(B)
    sk1 = smk_id.astype(jnp.int32).reshape(B)
    alpha1 = alpha_tab.reshape(N_PATIENTS)
    gamma1 = gamma_tab.reshape(N_PATIENTS)
    wc1 = W_cat.reshape(2 * EMB_DIM)
    wbw1 = W_bw.reshape(1)
    wba1 = W_ba.reshape(1)

    mesh = plsc.VectorSubcoreMesh(core_axis_name="c", subcore_axis_name="s",
                                  num_cores=NC, num_subcores=NS)
    run = pl.kernel(
        _body,
        out_type=jax.ShapeDtypeStruct((B,), f32),
        mesh=mesh,
        compiler_params=pltpu.CompilerParams(needs_layout_passes=False),
        scratch_types=[
            pltpu.VMEM((NCH, CHUNK), jnp.int32),
            pltpu.VMEM((BPW,), f32),
            pltpu.VMEM((BPW,), f32),
            pltpu.VMEM((BPW,), f32),
            pltpu.VMEM((BPW,), f32),
            pltpu.VMEM((BPW,), f32),
            pltpu.VMEM((BPW,), jnp.int32),
            pltpu.VMEM((BPW,), jnp.int32),
            pltpu.VMEM((BPW,), f32),
            pltpu.VMEM((3, EMB_DIM), f32),
            pltpu.VMEM((4, EMB_DIM), f32),
            pltpu.VMEM((2 * EMB_DIM,), f32),
            pltpu.VMEM((1,), f32),
            pltpu.VMEM((1,), f32),
            pltpu.VMEM((L,), f32),
            pltpu.SemaphoreType.DMA,
            pltpu.SemaphoreType.DMA,
        ],
    )
    return run(weeks1, age1, fvc1, pid3, sx1, sk1, wbw1, wba1,
               alpha1, gamma1, sex_tab, smk_tab, wc1)

# --- scband reference (transcript-rebuilt; emitter-appended) ---
"""Pipeline reference for scband-mixed-kernel-m2-962072675012 (READ-ONLY COPY).

The authoritative reference and input builder live on the scoring server;
editing this copy changes nothing except your own understanding.
"""

import jax, jax.numpy as jnp
import numpy as np

N_PATIENTS = 100000
SEX_CARD = 3
SMK_CARD = 4
EMB_DIM = 64
B = 16384


def setup_inputs(seed: int = 0) -> dict:
    key = jax.random.key(seed)
    ks = jax.random.split(key, 13)
    return {
        "weeks": jax.random.normal(ks[0], (B, 1), dtype=jnp.float32),
        "age": jax.random.normal(ks[1], (B, 1), dtype=jnp.float32),
        "baseline_fvc": jax.random.normal(ks[2], (B, 1), dtype=jnp.float32),
        "pid": jax.random.randint(ks[3], (B, 1), 0, N_PATIENTS),
        "sex_id": jax.random.randint(ks[4], (B, 1), 0, SEX_CARD),
        "smk_id": jax.random.randint(ks[5], (B, 1), 0, SMK_CARD),
        "W_bw": jax.random.normal(ks[6], (1, 1), dtype=jnp.float32) * 0.1,
        "W_ba": jax.random.normal(ks[7], (1, 1), dtype=jnp.float32) * 0.1,
        "alpha_tab": jax.random.normal(ks[8], (N_PATIENTS, 1), dtype=jnp.float32) * 0.1,
        "gamma_tab": jax.random.normal(ks[9], (N_PATIENTS, 1), dtype=jnp.float32) * 0.1,
        "sex_tab": jax.random.normal(ks[10], (SEX_CARD, EMB_DIM), dtype=jnp.float32) * 0.1,
        "smk_tab": jax.random.normal(ks[11], (SMK_CARD, EMB_DIM), dtype=jnp.float32) * 0.1,
        "W_cat": jax.random.normal(ks[12], (1, 2 * EMB_DIM), dtype=jnp.float32) * 0.1,
    }


def reference(weeks, age, baseline_fvc, pid, sex_id, smk_id,
              W_bw, W_ba, alpha_tab, gamma_tab, sex_tab, smk_tab, W_cat):
    # delta = beta_w(weeks) + beta_a(age)  (Linear, no bias)
    delta = (weeks @ W_bw.T + age @ W_ba.T).squeeze()
    # categorical embeddings
    se = jnp.take(sex_tab, sex_id.squeeze(-1), axis=0)
    sm = jnp.take(smk_tab, smk_id.squeeze(-1), axis=0)
    cat = (jnp.concatenate([se, sm], axis=-1) @ W_cat.T).squeeze()
    # patient random effects (use_patient_effects=True path)
    alpha = jnp.take(alpha_tab, pid.squeeze(-1), axis=0).squeeze()
    gamma = jnp.take(gamma_tab, pid.squeeze(-1), axis=0).squeeze()
    weeks_1d = weeks.squeeze()
    pat = alpha + gamma * weeks_1d
    return baseline_fvc.squeeze() + delta + pat + cat

if __name__ == "__main__":
    import jax
    _d = setup_inputs()
    print(jax.jit(kernel)(*tuple(_d.values())))

</pallas_src>

<mosaic_0001>
#map = affine_map<(d0, d1) -> (0)>
#map1 = affine_map<(d0, d1) -> (0, 0, 0)>
#map2 = affine_map<(d0, d1) -> (0, 0)>
module attributes {stable_mosaic.version = 14 : i64} {
  func.func @_body(%arg0: i32, %arg1: i32, %arg2: memref<16384xf32, #tpu.memory_space<hbm>>, %arg3: memref<16384xf32, #tpu.memory_space<hbm>>, %arg4: memref<16384xf32, #tpu.memory_space<hbm>>, %arg5: memref<32x4x128xi32, #tpu.memory_space<hbm>>, %arg6: memref<16384xi32, #tpu.memory_space<hbm>>, %arg7: memref<16384xi32, #tpu.memory_space<hbm>>, %arg8: memref<1xf32, #tpu.memory_space<hbm>>, %arg9: memref<1xf32, #tpu.memory_space<hbm>>, %arg10: memref<100000xf32, #tpu.memory_space<hbm>>, %arg11: memref<100000xf32, #tpu.memory_space<hbm>>, %arg12: memref<3x64xf32, #tpu.memory_space<hbm>>, %arg13: memref<4x64xf32, #tpu.memory_space<hbm>>, %arg14: memref<128xf32, #tpu.memory_space<hbm>>, %arg15: memref<16384xf32, #tpu.memory_space<hbm>>, %arg16: memref<4x128xi32, #tpu.memory_space<vmem>>, %arg17: memref<512xf32, #tpu.memory_space<vmem>>, %arg18: memref<512xf32, #tpu.memory_space<vmem>>, %arg19: memref<512xf32, #tpu.memory_space<vmem>>, %arg20: memref<512xf32, #tpu.memory_space<vmem>>, %arg21: memref<512xf32, #tpu.memory_space<vmem>>, %arg22: memref<512xi32, #tpu.memory_space<vmem>>, %arg23: memref<512xi32, #tpu.memory_space<vmem>>, %arg24: memref<512xf32, #tpu.memory_space<vmem>>, %arg25: memref<3x64xf32, #tpu.memory_space<vmem>>, %arg26: memref<4x64xf32, #tpu.memory_space<vmem>>, %arg27: memref<128xf32, #tpu.memory_space<vmem>>, %arg28: memref<1xf32, #tpu.memory_space<vmem>>, %arg29: memref<1xf32, #tpu.memory_space<vmem>>, %arg30: memref<16xf32, #tpu.memory_space<vmem>>, %arg31: memref<!tpu.dma_semaphore, #tpu.memory_space<semaphore_mem>>, %arg32: memref<!tpu.dma_semaphore, #tpu.memory_space<semaphore_mem>>) attributes {dimension_semantics = [#tpu.dimension_semantics<core_parallel>, #tpu.dimension_semantics<subcore_parallel>], iteration_bounds = array<i64: 2, 16>, scalar_prefetch = 0 : i64, scratch_operands = 17 : i64, tpu.core_type = #tpu.core_type<sc_vector_subcore>, window_params = [{transform_indices = #map}, {transform_indices = #map}, {transform_indices = #map}, {transform_indices = #map1}, {transform_indices = #map}, {transform_indices = #map}, {transform_indices = #map}, {transform_indices = #map}, {transform_indices = #map}, {transform_indices = #map}, {transform_indices = #map2}, {transform_indices = #map2}, {transform_indices = #map}, {transform_indices = #map}]} {
    %mul3A = arith.constant 2 : i32
    %mul3A_0 = arith.muli %arg1, %mul3A : i32
    %add3A = arith.addi %mul3A_0, %arg0 : i32
    %mul3A_1 = arith.constant 512 : i32
    %mul3A_2 = arith.muli %add3A, %mul3A_1 : i32
    "tpu.region"() ({
      %run_scoped3A = tpu.sem_alloc : memref<!tpu.dma_semaphore, #tpu.memory_space<semaphore_mem>>
      %dma_start3A_459 = arith.constant 0 : i32
      %dma_start3A_460 = arith.constant 0 : i32
      %dma_start3A_461 = tpu.memref_slice %arg5[%add3A, %dma_start3A_459, %dma_start3A_460] : memref<32x4x128xi32, #tpu.memory_space<hbm>> -> memref<1x4x128xi32, #tpu.memory_space<hbm>>
      %dma_start3A_462 = tpu.memref_squeeze %dma_start3A_461 : memref<1x4x128xi32, #tpu.memory_space<hbm>> -> memref<4x128xi32, #tpu.memory_space<hbm>>
      %dma_start3A_463 = arith.constant 0 : i32
      %dma_start3A_464 = arith.constant 0 : i32
      %dma_start3A_465 = tpu.memref_slice %arg5[%add3A, %dma_start3A_463, %dma_start3A_464] : memref<32x4x128xi32, #tpu.memory_space<hbm>> -> memref<1x4x128xi32, #tpu.memory_space<hbm>>
      %dma_start3A_466 = tpu.memref_squeeze %dma_start3A_465 : memref<1x4x128xi32, #tpu.memory_space<hbm>> -> memref<4x128xi32, #tpu.memory_space<hbm>>
      tpu.enqueue_dma source(%dma_start3A_466 : memref<4x128xi32, #tpu.memory_space<hbm>>) target(%arg16 : memref<4x128xi32, #tpu.memory_space<vmem>>) target_semaphore(%run_scoped3A : memref<!tpu.dma_semaphore, #tpu.memory_space<semaphore_mem>>)
      %dma_wait3A_467 = arith.constant 0 : i32
      %dma_wait3A_468 = arith.constant 0 : i32
      %dma_wait3A_469 = tpu.memref_slice %arg5[%add3A, %dma_wait3A_467, %dma_wait3A_468] : memref<32x4x128xi32, #tpu.memory_space<hbm>> -> memref<1x4x128xi32, #tpu.memory_space<hbm>>
      %dma_wait3A_470 = tpu.memref_squeeze %dma_wait3A_469 : memref<1x4x128xi32, #tpu.memory_space<hbm>> -> memref<4x128xi32, #tpu.memory_space<hbm>>
      %dma_wait3A_471 = arith.constant 0 : i32
      %dma_wait3A_472 = arith.constant 0 : i32
      %dma_wait3A_473 = tpu.memref_slice %arg5[%add3A, %dma_wait3A_471, %dma_wait3A_472] : memref<32x4x128xi32, #tpu.memory_space<hbm>> -> memref<1x4x128xi32, #tpu.memory_space<hbm>>
      %dma_wait3A_474 = tpu.memref_squeeze %dma_wait3A_473 : memref<1x4x128xi32, #tpu.memory_space<hbm>> -> memref<4x128xi32, #tpu.memory_space<hbm>>
      tpu.wait_dma2 semaphore(%run_scoped3A : memref<!tpu.dma_semaphore, #tpu.memory_space<semaphore_mem>>) src(%dma_wait3A_474 : memref<4x128xi32, #tpu.memory_space<hbm>>) dst(%arg16 : memref<4x128xi32, #tpu.memory_space<vmem>>)
      tpu.yield
    }) : () -> ()
    %dma_start3A = arith.constant 0 : i32
    %dma_start3A_3 = arith.constant 0 : i32
    %dma_start3A_4 = tpu.memref_slice %arg17[%dma_start3A_3] : memref<512xf32, #tpu.memory_space<vmem>> -> memref<128xf32, #tpu.memory_space<vmem>>
    %dma_start3A_5 = arith.constant 0 : i32
    %dma_start3A_6 = tpu.memref_slice %arg16[%dma_start3A, %dma_start3A_5] : memref<4x128xi32, #tpu.memory_space<vmem>> -> memref<1x128xi32, #tpu.memory_space<vmem>>
    %dma_start3A_7 = tpu.memref_squeeze %dma_start3A_6 : memref<1x128xi32, #tpu.memory_space<vmem>> -> memref<128xi32, #tpu.memory_space<vmem>>
    %dma_start3A_8 = arith.constant 0 : i32
    %dma_start3A_9 = tpu.memref_slice %arg10[%dma_start3A_8] : memref<100000xf32, #tpu.memory_space<hbm>> -> memref<100000xf32, #tpu.memory_space<hbm>>
    tpu.enqueue_indirect_dma source(%dma_start3A_9 : memref<100000xf32, #tpu.memory_space<hbm>>) target(%dma_start3A_4 : memref<128xf32, #tpu.memory_space<vmem>>) offsets(%dma_start3A_7 : memref<128xi32, #tpu.memory_space<vmem>>) semaphore(%arg31 : memref<!tpu.dma_semaphore, #tpu.memory_space<semaphore_mem>>)
    %dma_start3A_10 = arith.constant 0 : i32
    %dma_start3A_11 = arith.constant 0 : i32
    %dma_start3A_12 = tpu.memref_slice %arg18[%dma_start3A_11] : memref<512xf32, #tpu.memory_space<vmem>> -> memref<128xf32, #tpu.memory_space<vmem>>
    %dma_start3A_13 = arith.constant 0 : i32
    %dma_start3A_14 = tpu.memref_slice %arg16[%dma_start3A_10, %dma_start3A_13] : memref<4x128xi32, #tpu.memory_space<vmem>> -> memref<1x128xi32, #tpu.memory_space<vmem>>
    %dma_start3A_15 = tpu.memref_squeeze %dma_start3A_14 : memref<1x128xi32, #tpu.memory_space<vmem>> -> memref<128xi32, #tpu.memory_space<vmem>>
    %dma_start3A_16 = arith.constant 0 : i32
    %dma_start3A_17 = tpu.memref_slice %arg11[%dma_start3A_16] : memref<100000xf32, #tpu.memory_space<hbm>> -> memref<100000xf32, #tpu.memory_space<hbm>>
    tpu.enqueue_indirect_dma source(%dma_start3A_17 : memref<100000xf32, #tpu.memory_space<hbm>>) target(%dma_start3A_12 : memref<128xf32, #tpu.memory_space<vmem>>) offsets(%dma_start3A_15 : memref<128xi32, #tpu.memory_space<vmem>>) semaphore(%arg31 : memref<!tpu.dma_semaphore, #tpu.memory_space<semaphore_mem>>)
    %dma_start3A_18 = arith.constant 1 : i32
    %dma_start3A_19 = arith.constant 128 : i32
    %dma_start3A_20 = tpu.memref_slice %arg17[%dma_start3A_19] : memref<512xf32, #tpu.memory_space<vmem>> -> memref<128xf32, #tpu.memory_space<vmem>>
    %dma_start3A_21 = arith.constant 0 : i32
    %dma_start3A_22 = tpu.memref_slice %arg16[%dma_start3A_18, %dma_start3A_21] : memref<4x128xi32, #tpu.memory_space<vmem>> -> memref<1x128xi32, #tpu.memory_space<vmem>>
    %dma_start3A_23 = tpu.memref_squeeze %dma_start3A_22 : memref<1x128xi32, #tpu.memory_space<vmem>> -> memref<128xi32, #tpu.memory_space<vmem>>
    %dma_start3A_24 = arith.constant 0 : i32
    %dma_start3A_25 = tpu.memref_slice %arg10[%dma_start3A_24] : memref<100000xf32, #tpu.memory_space<hbm>> -> memref<100000xf32, #tpu.memory_space<hbm>>
    tpu.enqueue_indirect_dma source(%dma_start3A_25 : memref<100000xf32, #tpu.memory_space<hbm>>) target(%dma_start3A_20 : memref<128xf32, #tpu.memory_space<vmem>>) offsets(%dma_start3A_23 : memref<128xi32, #tpu.memory_space<vmem>>) semaphore(%arg31 : memref<!tpu.dma_semaphore, #tpu.memory_space<semaphore_mem>>)
    %dma_start3A_26 = arith.constant 1 : i32
    %dma_start3A_27 = arith.constant 128 : i32
    %dma_start3A_28 = tpu.memref_slice %arg18[%dma_start3A_27] : memref<512xf32, #tpu.memory_space<vmem>> -> memref<128xf32, #tpu.memory_space<vmem>>
    %dma_start3A_29 = arith.constant 0 : i32
    %dma_start3A_30 = tpu.memref_slice %arg16[%dma_start3A_26, %dma_start3A_29] : memref<4x128xi32, #tpu.memory_space<vmem>> -> memref<1x128xi32, #tpu.memory_space<vmem>>
    %dma_start3A_31 = tpu.memref_squeeze %dma_start3A_30 : memref<1x128xi32, #tpu.memory_space<vmem>> -> memref<128xi32, #tpu.memory_space<vmem>>
    %dma_start3A_32 = arith.constant 0 : i32
    %dma_start3A_33 = tpu.memref_slice %arg11[%dma_start3A_32] : memref<100000xf32, #tpu.memory_space<hbm>> -> memref<100000xf32, #tpu.memory_space<hbm>>
    tpu.enqueue_indirect_dma source(%dma_start3A_33 : memref<100000xf32, #tpu.memory_space<hbm>>) target(%dma_start3A_28 : memref<128xf32, #tpu.memory_space<vmem>>) offsets(%dma_start3A_31 : memref<128xi32, #tpu.memory_space<vmem>>) semaphore(%arg31 : memref<!tpu.dma_semaphore, #tpu.memory_space<semaphore_mem>>)
    %dma_start3A_34 = arith.constant 2 : i32
    %dma_start3A_35 = arith.constant 256 : i32
    %dma_start3A_36 = tpu.memref_slice %arg17[%dma_start3A_35] : memref<512xf32, #tpu.memory_space<vmem>> -> memref<128xf32, #tpu.memory_space<vmem>>
    %dma_start3A_37 = arith.constant 0 : i32
    %dma_start3A_38 = tpu.memref_slice %arg16[%dma_start3A_34, %dma_start3A_37] : memref<4x128xi32, #tpu.memory_space<vmem>> -> memref<1x128xi32, #tpu.memory_space<vmem>>
    %dma_start3A_39 = tpu.memref_squeeze %dma_start3A_38 : memref<1x128xi32, #tpu.memory_space<vmem>> -> memref<128xi32, #tpu.memory_space<vmem>>
    %dma_start3A_40 = arith.constant 0 : i32
    %dma_start3A_41 = tpu.memref_slice %arg10[%dma_start3A_40] : memref<100000xf32, #tpu.memory_space<hbm>> -> memref<100000xf32, #tpu.memory_space<hbm>>
    tpu.enqueue_indirect_dma source(%dma_start3A_41 : memref<100000xf32, #tpu.memory_space<hbm>>) target(%dma_start3A_36 : memref<128xf32, #tpu.memory_space<vmem>>) offsets(%dma_start3A_39 : memref<128xi32, #tpu.memory_space<vmem>>) semaphore(%arg31 : memref<!tpu.dma_semaphore, #tpu.memory_space<semaphore_mem>>)
    %dma_start3A_42 = arith.constant 2 : i32
    %dma_start3A_43 = arith.constant 256 : i32
    %dma_start3A_44 = tpu.memref_slice %arg18[%dma_start3A_43] : memref<512xf32, #tpu.memory_space<vmem>> -> memref<128xf32, #tpu.memory_space<vmem>>
    %dma_start3A_45 = arith.constant 0 : i32
    %dma_start3A_46 = tpu.memref_slice %arg16[%dma_start3A_42, %dma_start3A_45] : memref<4x128xi32, #tpu.memory_space<vmem>> -> memref<1x128xi32, #tpu.memory_space<vmem>>
    %dma_start3A_47 = tpu.memref_squeeze %dma_start3A_46 : memref<1x128xi32, #tpu.memory_space<vmem>> -> memref<128xi32, #tpu.memory_space<vmem>>
    %dma_start3A_48 = arith.constant 0 : i32
    %dma_start3A_49 = tpu.memref_slice %arg11[%dma_start3A_48] : memref<100000xf32, #tpu.memory_space<hbm>> -> memref<100000xf32, #tpu.memory_space<hbm>>
    tpu.enqueue_indirect_dma source(%dma_start3A_49 : memref<100000xf32, #tpu.memory_space<hbm>>) target(%dma_start3A_44 : memref<128xf32, #tpu.memory_space<vmem>>) offsets(%dma_start3A_47 : memref<128xi32, #tpu.memory_space<vmem>>) semaphore(%arg31 : memref<!tpu.dma_semaphore, #tpu.memory_space<semaphore_mem>>)
    %dma_start3A_50 = arith.constant 3 : i32
    %dma_start3A_51 = arith.constant 384 : i32
    %dma_start3A_52 = tpu.memref_slice %arg17[%dma_start3A_51] : memref<512xf32, #tpu.memory_space<vmem>> -> memref<128xf32, #tpu.memory_space<vmem>>
    %dma_start3A_53 = arith.constant 0 : i32
    %dma_start3A_54 = tpu.memref_slice %arg16[%dma_start3A_50, %dma_start3A_53] : memref<4x128xi32, #tpu.memory_space<vmem>> -> memref<1x128xi32, #tpu.memory_space<vmem>>
    %dma_start3A_55 = tpu.memref_squeeze %dma_start3A_54 : memref<1x128xi32, #tpu.memory_space<vmem>> -> memref<128xi32, #tpu.memory_space<vmem>>
    %dma_start3A_56 = arith.constant 0 : i32
    %dma_start3A_57 = tpu.memref_slice %arg10[%dma_start3A_56] : memref<100000xf32, #tpu.memory_space<hbm>> -> memref<100000xf32, #tpu.memory_space<hbm>>
    tpu.enqueue_indirect_dma source(%dma_start3A_57 : memref<100000xf32, #tpu.memory_space<hbm>>) target(%dma_start3A_52 : memref<128xf32, #tpu.memory_space<vmem>>) offsets(%dma_start3A_55 : memref<128xi32, #tpu.memory_space<vmem>>) semaphore(%arg31 : memref<!tpu.dma_semaphore, #tpu.memory_space<semaphore_mem>>)
    %dma_start3A_58 = arith.constant 3 : i32
    %dma_start3A_59 = arith.constant 384 : i32
    %dma_start3A_60 = tpu.memref_slice %arg18[%dma_start3A_59] : memref<512xf32, #tpu.memory_space<vmem>> -> memref<128xf32, #tpu.memory_space<vmem>>
    %dma_start3A_61 = arith.constant 0 : i32
    %dma_start3A_62 = tpu.memref_slice %arg16[%dma_start3A_58, %dma_start3A_61] : memref<4x128xi32, #tpu.memory_space<vmem>> -> memref<1x128xi32, #tpu.memory_space<vmem>>
    %dma_start3A_63 = tpu.memref_squeeze %dma_start3A_62 : memref<1x128xi32, #tpu.memory_space<vmem>> -> memref<128xi32, #tpu.memory_space<vmem>>
    %dma_start3A_64 = arith.constant 0 : i32
    %dma_start3A_65 = tpu.memref_slice %arg11[%dma_start3A_64] : memref<100000xf32, #tpu.memory_space<hbm>> -> memref<100000xf32, #tpu.memory_space<hbm>>
    tpu.enqueue_indirect_dma source(%dma_start3A_65 : memref<100000xf32, #tpu.memory_space<hbm>>) target(%dma_start3A_60 : memref<128xf32, #tpu.memory_space<vmem>>) offsets(%dma_start3A_63 : memref<128xi32, #tpu.memory_space<vmem>>) semaphore(%arg31 : memref<!tpu.dma_semaphore, #tpu.memory_space<semaphore_mem>>)
    tpu.enqueue_dma source(%arg12 : memref<3x64xf32, #tpu.memory_space<hbm>>) target(%arg25 : memref<3x64xf32, #tpu.memory_space<vmem>>) target_semaphore(%arg32 : memref<!tpu.dma_semaphore, #tpu.memory_space<semaphore_mem>>)
    tpu.enqueue_dma source(%arg13 : memref<4x64xf32, #tpu.memory_space<hbm>>) target(%arg26 : memref<4x64xf32, #tpu.memory_space<vmem>>) target_semaphore(%arg32 : memref<!tpu.dma_semaphore, #tpu.memory_space<semaphore_mem>>)
    tpu.enqueue_dma source(%arg14 : memref<128xf32, #tpu.memory_space<hbm>>) target(%arg27 : memref<128xf32, #tpu.memory_space<vmem>>) target_semaphore(%arg32 : memref<!tpu.dma_semaphore, #tpu.memory_space<semaphore_mem>>)
    tpu.enqueue_dma source(%arg8 : memref<1xf32, #tpu.memory_space<hbm>>) target(%arg28 : memref<1xf32, #tpu.memory_space<vmem>>) target_semaphore(%arg32 : memref<!tpu.dma_semaphore, #tpu.memory_space<semaphore_mem>>)
    tpu.enqueue_dma source(%arg9 : memref<1xf32, #tpu.memory_space<hbm>>) target(%arg29 : memref<1xf32, #tpu.memory_space<vmem>>) target_semaphore(%arg32 : memref<!tpu.dma_semaphore, #tpu.memory_space<semaphore_mem>>)
    %dma_start3A_66 = tpu.memref_slice %arg2[%mul3A_2] : memref<16384xf32, #tpu.memory_space<hbm>> -> memref<512xf32, #tpu.memory_space<hbm>>
    %dma_start3A_67 = tpu.memref_slice %arg2[%mul3A_2] : memref<16384xf32, #tpu.memory_space<hbm>> -> memref<512xf32, #tpu.memory_space<hbm>>
    tpu.enqueue_dma source(%dma_start3A_67 : memref<512xf32, #tpu.memory_space<hbm>>) target(%arg19 : memref<512xf32, #tpu.memory_space<vmem>>) target_semaphore(%arg32 : memref<!tpu.dma_semaphore, #tpu.memory_space<semaphore_mem>>)
    %dma_start3A_68 = tpu.memref_slice %arg3[%mul3A_2] : memref<16384xf32, #tpu.memory_space<hbm>> -> memref<512xf32, #tpu.memory_space<hbm>>
    %dma_start3A_69 = tpu.memref_slice %arg3[%mul3A_2] : memref<16384xf32, #tpu.memory_space<hbm>> -> memref<512xf32, #tpu.memory_space<hbm>>
    tpu.enqueue_dma source(%dma_start3A_69 : memref<512xf32, #tpu.memory_space<hbm>>) target(%arg20 : memref<512xf32, #tpu.memory_space<vmem>>) target_semaphore(%arg32 : memref<!tpu.dma_semaphore, #tpu.memory_space<semaphore_mem>>)
    %dma_start3A_70 = tpu.memref_slice %arg4[%mul3A_2] : memref<16384xf32, #tpu.memory_space<hbm>> -> memref<512xf32, #tpu.memory_space<hbm>>
    %dma_start3A_71 = tpu.memref_slice %arg4[%mul3A_2] : memref<16384xf32, #tpu.memory_space<hbm>> -> memref<512xf32, #tpu.memory_space<hbm>>
    tpu.enqueue_dma source(%dma_start3A_71 : memref<512xf32, #tpu.memory_space<hbm>>) target(%arg21 : memref<512xf32, #tpu.memory_space<vmem>>) target_semaphore(%arg32 : memref<!tpu.dma_semaphore, #tpu.memory_space<semaphore_mem>>)
    %dma_start3A_72 = tpu.memref_slice %arg6[%mul3A_2] : memref<16384xi32, #tpu.memory_space<hbm>> -> memref<512xi32, #tpu.memory_space<hbm>>
    %dma_start3A_73 = tpu.memref_slice %arg6[%mul3A_2] : memref<16384xi32, #tpu.memory_space<hbm>> -> memref<512xi32, #tpu.memory_space<hbm>>
    tpu.enqueue_dma source(%dma_start3A_73 : memref<512xi32, #tpu.memory_space<hbm>>) target(%arg22 : memref<512xi32, #tpu.memory_space<vmem>>) target_semaphore(%arg32 : memref<!tpu.dma_semaphore, #tpu.memory_space<semaphore_mem>>)
    %dma_start3A_74 = tpu.memref_slice %arg7[%mul3A_2] : memref<16384xi32, #tpu.memory_space<hbm>> -> memref<512xi32, #tpu.memory_space<hbm>>
    %dma_start3A_75 = tpu.memref_slice %arg7[%mul3A_2] : memref<16384xi32, #tpu.memory_space<hbm>> -> memref<512xi32, #tpu.memory_space<hbm>>
    tpu.enqueue_dma source(%dma_start3A_75 : memref<512xi32, #tpu.memory_space<hbm>>) target(%arg23 : memref<512xi32, #tpu.memory_space<vmem>>) target_semaphore(%arg32 : memref<!tpu.dma_semaphore, #tpu.memory_space<semaphore_mem>>)
    %iota3A = tpu.iota {dimensions = array<i32: 0>} : vector<16xi32>
    %sub3A = arith.subi %iota3A, %iota3A : vector<16xi32>
    tpu.wait_dma2 semaphore(%arg32 : memref<!tpu.dma_semaphore, #tpu.memory_space<semaphore_mem>>) src(%arg12 : memref<3x64xf32, #tpu.memory_space<hbm>>) dst(%arg25 : memref<3x64xf32, #tpu.memory_space<vmem>>)
    tpu.wait_dma2 semaphore(%arg32 : memref<!tpu.dma_semaphore, #tpu.memory_space<semaphore_mem>>) src(%arg13 : memref<4x64xf32, #tpu.memory_space<hbm>>) dst(%arg26 : memref<4x64xf32, #tpu.memory_space<vmem>>)
    tpu.wait_dma2 semaphore(%arg32 : memref<!tpu.dma_semaphore, #tpu.memory_space<semaphore_mem>>) src(%arg14 : memref<128xf32, #tpu.memory_space<hbm>>) dst(%arg27 : memref<128xf32, #tpu.memory_space<vmem>>)
    tpu.wait_dma2 semaphore(%arg32 : memref<!tpu.dma_semaphore, #tpu.memory_space<semaphore_mem>>) src(%arg8 : memref<1xf32, #tpu.memory_space<hbm>>) dst(%arg28 : memref<1xf32, #tpu.memory_space<vmem>>)
    tpu.wait_dma2 semaphore(%arg32 : memref<!tpu.dma_semaphore, #tpu.memory_space<semaphore_mem>>) src(%arg9 : memref<1xf32, #tpu.memory_space<hbm>>) dst(%arg29 : memref<1xf32, #tpu.memory_space<vmem>>)
    %dma_wait3A = tpu.memref_slice %arg2[%mul3A_2] : memref<16384xf32, #tpu.memory_space<hbm>> -> memref<512xf32, #tpu.memory_space<hbm>>
    %dma_wait3A_76 = tpu.memref_slice %arg2[%mul3A_2] : memref<16384xf32, #tpu.memory_space<hbm>> -> memref<512xf32, #tpu.memory_space<hbm>>
    tpu.wait_dma2 semaphore(%arg32 : memref<!tpu.dma_semaphore, #tpu.memory_space<semaphore_mem>>) src(%dma_wait3A_76 : memref<512xf32, #tpu.memory_space<hbm>>) dst(%arg19 : memref<512xf32, #tpu.memory_space<vmem>>)
    %dma_wait3A_77 = tpu.memref_slice %arg3[%mul3A_2] : memref<16384xf32, #tpu.memory_space<hbm>> -> memref<512xf32, #tpu.memory_space<hbm>>
    %dma_wait3A_78 = tpu.memref_slice %arg3[%mul3A_2] : memref<16384xf32, #tpu.memory_space<hbm>> -> memref<512xf32, #tpu.memory_space<hbm>>
    tpu.wait_dma2 semaphore(%arg32 : memref<!tpu.dma_semaphore, #tpu.memory_space<semaphore_mem>>) src(%dma_wait3A_78 : memref<512xf32, #tpu.memory_space<hbm>>) dst(%arg20 : memref<512xf32, #tpu.memory_space<vmem>>)
    %dma_wait3A_79 = tpu.memref_slice %arg4[%mul3A_2] : memref<16384xf32, #tpu.memory_space<hbm>> -> memref<512xf32, #tpu.memory_space<hbm>>
    %dma_wait3A_80 = tpu.memref_slice %arg4[%mul3A_2] : memref<16384xf32, #tpu.memory_space<hbm>> -> memref<512xf32, #tpu.memory_space<hbm>>
    tpu.wait_dma2 semaphore(%arg32 : memref<!tpu.dma_semaphore, #tpu.memory_space<semaphore_mem>>) src(%dma_wait3A_80 : memref<512xf32, #tpu.memory_space<hbm>>) dst(%arg21 : memref<512xf32, #tpu.memory_space<vmem>>)
    %dma_wait3A_81 = tpu.memref_slice %arg6[%mul3A_2] : memref<16384xi32, #tpu.memory_space<hbm>> -> memref<512xi32, #tpu.memory_space<hbm>>
    %dma_wait3A_82 = tpu.memref_slice %arg6[%mul3A_2] : memref<16384xi32, #tpu.memory_space<hbm>> -> memref<512xi32, #tpu.memory_space<hbm>>
    tpu.wait_dma2 semaphore(%arg32 : memref<!tpu.dma_semaphore, #tpu.memory_space<semaphore_mem>>) src(%dma_wait3A_82 : memref<512xi32, #tpu.memory_space<hbm>>) dst(%arg22 : memref<512xi32, #tpu.memory_space<vmem>>)
    %dma_wait3A_83 = tpu.memref_slice %arg7[%mul3A_2] : memref<16384xi32, #tpu.memory_space<hbm>> -> memref<512xi32, #tpu.memory_space<hbm>>
    %dma_wait3A_84 = tpu.memref_slice %arg7[%mul3A_2] : memref<16384xi32, #tpu.memory_space<hbm>> -> memref<512xi32, #tpu.memory_space<hbm>>
    tpu.wait_dma2 semaphore(%arg32 : memref<!tpu.dma_semaphore, #tpu.memory_space<semaphore_mem>>) src(%dma_wait3A_84 : memref<512xi32, #tpu.memory_space<hbm>>) dst(%arg23 : memref<512xi32, #tpu.memory_space<vmem>>)
    %get3A = arith.constant 0 : i32
    %get3A_85 = arith.index_cast %get3A : i32 to index
    %get3A_86 = arith.constant 0 : index
    %get3A_87 = tpu.vector_load %arg25[%get3A_85, %get3A_86] {strides = array<i32>} : memref<3x64xf32, #tpu.memory_space<vmem>>, vector<16xf32>,
    %get3A_88 = arith.constant 0 : index
    %get3A_89 = tpu.vector_load %arg27[%get3A_88] {strides = array<i32>} : memref<128xf32, #tpu.memory_space<vmem>>, vector<16xf32>,
    %mul3A_90 = arith.mulf %get3A_87, %get3A_89 : vector<16xf32>
    %get3A_91 = arith.constant 0 : i32
    %get3A_92 = arith.index_cast %get3A_91 : i32 to index
    %get3A_93 = arith.constant 16 : index
    %get3A_94 = tpu.vector_load %arg25[%get3A_92, %get3A_93] {strides = array<i32>} : memref<3x64xf32, #tpu.memory_space<vmem>>, vector<16xf32>,
    %get3A_95 = arith.constant 16 : index
    %get3A_96 = tpu.vector_load %arg27[%get3A_95] {strides = array<i32>} : memref<128xf32, #tpu.memory_space<vmem>>, vector<16xf32>,
    %mul3A_97 = arith.mulf %get3A_94, %get3A_96 : vector<16xf32>
    %add3A_98 = arith.addf %mul3A_90, %mul3A_97 : vector<16xf32>
    %get3A_99 = arith.constant 0 : i32
    %get3A_100 = arith.index_cast %get3A_99 : i32 to index
    %get3A_101 = arith.constant 32 : index
    %get3A_102 = tpu.vector_load %arg25[%get3A_100, %get3A_101] {strides = array<i32>} : memref<3x64xf32, #tpu.memory_space<vmem>>, vector<16xf32>,
    %get3A_103 = arith.constant 32 : index
    %get3A_104 = tpu.vector_load %arg27[%get3A_103] {strides = array<i32>} : memref<128xf32, #tpu.memory_space<vmem>>, vector<16xf32>,
    %mul3A_105 = arith.mulf %get3A_102, %get3A_104 : vector<16xf32>
    %add3A_106 = arith.addf %add3A_98, %mul3A_105 : vector<16xf32>
    %get3A_107 = arith.constant 0 : i32
    %get3A_108 = arith.index_cast %get3A_107 : i32 to index
    %get3A_109 = arith.constant 48 : index
    %get3A_110 = tpu.vector_load %arg25[%get3A_108, %get3A_109] {strides = array<i32>} : memref<3x64xf32, #tpu.memory_space<vmem>>, vector<16xf32>,
    %get3A_111 = arith.constant 48 : index
    %get3A_112 = tpu.vector_load %arg27[%get3A_111] {strides = array<i32>} : memref<128xf32, #tpu.memory_space<vmem>>, vector<16xf32>,
    %mul3A_113 = arith.mulf %get3A_110, %get3A_112 : vector<16xf32>
    %add3A_114 = arith.addf %add3A_106, %mul3A_113 : vector<16xf32>
    %reduce_sum3A = arith.constant true
    %reduce_sum3A_115 = vector.broadcast %reduce_sum3A : i1 to vector<16xi1>
    %reduce_sum3A_116 = tpu.scan <sum>, %add3A_114 masked %reduce_sum3A_115 : vector<16xf32>, vector<16xi1> -> vector<16xf32>
    %reduce_sum3A_117 = vector.extract %reduce_sum3A_116[15] : f32 from vector<16xf32>
    %get3A_118 = arith.constant 1 : i32
    %get3A_119 = arith.index_cast %get3A_118 : i32 to index
    %get3A_120 = arith.constant 0 : index
    %get3A_121 = tpu.vector_load %arg25[%get3A_119, %get3A_120] {strides = array<i32>} : memref<3x64xf32, #tpu.memory_space<vmem>>, vector<16xf32>,
    %get3A_122 = arith.constant 0 : index
    %get3A_123 = tpu.vector_load %arg27[%get3A_122] {strides = array<i32>} : memref<128xf32, #tpu.memory_space<vmem>>, vector<16xf32>,
    %mul3A_124 = arith.mulf %get3A_121, %get3A_123 : vector<16xf32>
    %get3A_125 = arith.constant 1 : i32
    %get3A_126 = arith.index_cast %get3A_125 : i32 to index
    %get3A_127 = arith.constant 16 : index
    %get3A_128 = tpu.vector_load %arg25[%get3A_126, %get3A_127] {strides = array<i32>} : memref<3x64xf32, #tpu.memory_space<vmem>>, vector<16xf32>,
    %get3A_129 = arith.constant 16 : index
    %get3A_130 = tpu.vector_load %arg27[%get3A_129] {strides = array<i32>} : memref<128xf32, #tpu.memory_space<vmem>>, vector<16xf32>,
    %mul3A_131 = arith.mulf %get3A_128, %get3A_130 : vector<16xf32>
    %add3A_132 = arith.addf %mul3A_124, %mul3A_131 : vector<16xf32>
    %get3A_133 = arith.constant 1 : i32
    %get3A_134 = arith.index_cast %get3A_133 : i32 to index
    %get3A_135 = arith.constant 32 : index
    %get3A_136 = tpu.vector_load %arg25[%get3A_134, %get3A_135] {strides = array<i32>} : memref<3x64xf32, #tpu.memory_space<vmem>>, vector<16xf32>,
    %get3A_137 = arith.constant 32 : index
    %get3A_138 = tpu.vector_load %arg27[%get3A_137] {strides = array<i32>} : memref<128xf32, #tpu.memory_space<vmem>>, vector<16xf32>,
    %mul3A_139 = arith.mulf %get3A_136, %get3A_138 : vector<16xf32>
    %add3A_140 = arith.addf %add3A_132, %mul3A_139 : vector<16xf32>
    %get3A_141 = arith.constant 1 : i32
    %get3A_142 = arith.index_cast %get3A_141 : i32 to index
    %get3A_143 = arith.constant 48 : index
    %get3A_144 = tpu.vector_load %arg25[%get3A_142, %get3A_143] {strides = array<i32>} : memref<3x64xf32, #tpu.memory_space<vmem>>, vector<16xf32>,
    %get3A_145 = arith.constant 48 : index
    %get3A_146 = tpu.vector_load %arg27[%get3A_145] {strides = array<i32>} : memref<128xf32, #tpu.memory_space<vmem>>, vector<16xf32>,
    %mul3A_147 = arith.mulf %get3A_144, %get3A_146 : vector<16xf32>
    %add3A_148 = arith.addf %add3A_140, %mul3A_147 : vector<16xf32>
    %reduce_sum3A_149 = arith.constant true
    %reduce_sum3A_150 = vector.broadcast %reduce_sum3A_149 : i1 to vector<16xi1>
    %reduce_sum3A_151 = tpu.scan <sum>, %add3A_148 masked %reduce_sum3A_150 : vector<16xf32>, vector<16xi1> -> vector<16xf32>
    %reduce_sum3A_152 = vector.extract %reduce_sum3A_151[15] : f32 from vector<16xf32>
    %get3A_153 = arith.constant 2 : i32
    %get3A_154 = arith.index_cast %get3A_153 : i32 to index
    %get3A_155 = arith.constant 0 : index
    %get3A_156 = tpu.vector_load %arg25[%get3A_154, %get3A_155] {strides = array<i32>} : memref<3x64xf32, #tpu.memory_space<vmem>>, vector<16xf32>,
    %get3A_157 = arith.constant 0 : index
    %get3A_158 = tpu.vector_load %arg27[%get3A_157] {strides = array<i32>} : memref<128xf32, #tpu.memory_space<vmem>>, vector<16xf32>,
    %mul3A_159 = arith.mulf %get3A_156, %get3A_158 : vector<16xf32>
    %get3A_160 = arith.constant 2 : i32
    %get3A_161 = arith.index_cast %get3A_160 : i32 to index
    %get3A_162 = arith.constant 16 : index
    %get3A_163 = tpu.vector_load %arg25[%get3A_161, %get3A_162] {strides = array<i32>} : memref<3x64xf32, #tpu.memory_space<vmem>>, vector<16xf32>,
    %get3A_164 = arith.constant 16 : index
    %get3A_165 = tpu.vector_load %arg27[%get3A_164] {strides = array<i32>} : memref<128xf32, #tpu.memory_space<vmem>>, vector<16xf32>,
    %mul3A_166 = arith.mulf %get3A_163, %get3A_165 : vector<16xf32>
    %add3A_167 = arith.addf %mul3A_159, %mul3A_166 : vector<16xf32>
    %get3A_168 = arith.constant 2 : i32
    %get3A_169 = arith.index_cast %get3A_168 : i32 to index
    %get3A_170 = arith.constant 32 : index
    %get3A_171 = tpu.vector_load %arg25[%get3A_169, %get3A_170] {strides = array<i32>} : memref<3x64xf32, #tpu.memory_space<vmem>>, vector<16xf32>,
    %get3A_172 = arith.constant 32 : index
    %get3A_173 = tpu.vector_load %arg27[%get3A_172] {strides = array<i32>} : memref<128xf32, #tpu.memory_space<vmem>>, vector<16xf32>,
    %mul3A_174 = arith.mulf %get3A_171, %get3A_173 : vector<16xf32>
    %add3A_175 = arith.addf %add3A_167, %mul3A_174 : vector<16xf32>
    %get3A_176 = arith.constant 2 : i32
    %get3A_177 = arith.index_cast %get3A_176 : i32 to index
    %get3A_178 = arith.constant 48 : index
    %get3A_179 = tpu.vector_load %arg25[%get3A_177, %get3A_178] {strides = array<i32>} : memref<3x64xf32, #tpu.memory_space<vmem>>, vector<16xf32>,
    %get3A_180 = arith.constant 48 : index
    %get3A_181 = tpu.vector_load %arg27[%get3A_180] {strides = array<i32>} : memref<128xf32, #tpu.memory_space<vmem>>, vector<16xf32>,
    %mul3A_182 = arith.mulf %get3A_179, %get3A_181 : vector<16xf32>
    %add3A_183 = arith.addf %add3A_175, %mul3A_182 : vector<16xf32>
    %reduce_sum3A_184 = arith.constant true
    %reduce_sum3A_185 = vector.broadcast %reduce_sum3A_184 : i1 to vector<16xi1>
    %reduce_sum3A_186 = tpu.scan <sum>, %add3A_183 masked %reduce_sum3A_185 : vector<16xf32>, vector<16xi1> -> vector<16xf32>
    %reduce_sum3A_187 = vector.extract %reduce_sum3A_186[15] : f32 from vector<16xf32>
    %get3A_188 = arith.constant 0 : i32
    %get3A_189 = arith.index_cast %get3A_188 : i32 to index
    %get3A_190 = arith.constant 0 : index
    %get3A_191 = tpu.vector_load %arg26[%get3A_189, %get3A_190] {strides = array<i32>} : memref<4x64xf32, #tpu.memory_space<vmem>>, vector<16xf32>,
    %get3A_192 = arith.constant 64 : index
    %get3A_193 = tpu.vector_load %arg27[%get3A_192] {strides = array<i32>} : memref<128xf32, #tpu.memory_space<vmem>>, vector<16xf32>,
    %mul3A_194 = arith.mulf %get3A_191, %get3A_193 : vector<16xf32>
    %get3A_195 = arith.constant 0 : i32
    %get3A_196 = arith.index_cast %get3A_195 : i32 to index
    %get3A_197 = arith.constant 16 : index
    %get3A_198 = tpu.vector_load %arg26[%get3A_196, %get3A_197] {strides = array<i32>} : memref<4x64xf32, #tpu.memory_space<vmem>>, vector<16xf32>,
    %get3A_199 = arith.constant 80 : index
    %get3A_200 = tpu.vector_load %arg27[%get3A_199] {strides = array<i32>} : memref<128xf32, #tpu.memory_space<vmem>>, vector<16xf32>,
    %mul3A_201 = arith.mulf %get3A_198, %get3A_200 : vector<16xf32>
    %add3A_202 = arith.addf %mul3A_194, %mul3A_201 : vector<16xf32>
    %get3A_203 = arith.constant 0 : i32
    %get3A_204 = arith.index_cast %get3A_203 : i32 to index
    %get3A_205 = arith.constant 32 : index
    %get3A_206 = tpu.vector_load %arg26[%get3A_204, %get3A_205] {strides = array<i32>} : memref<4x64xf32, #tpu.memory_space<vmem>>, vector<16xf32>,
    %get3A_207 = arith.constant 96 : index
    %get3A_208 = tpu.vector_load %arg27[%get3A_207] {strides = array<i32>} : memref<128xf32, #tpu.memory_space<vmem>>, vector<16xf32>,
    %mul3A_209 = arith.mulf %get3A_206, %get3A_208 : vector<16xf32>
    %add3A_210 = arith.addf %add3A_202, %mul3A_209 : vector<16xf32>
    %get3A_211 = arith.constant 0 : i32
    %get3A_212 = arith.index_cast %get3A_211 : i32 to index
    %get3A_213 = arith.constant 48 : index
    %get3A_214 = tpu.vector_load %arg26[%get3A_212, %get3A_213] {strides = array<i32>} : memref<4x64xf32, #tpu.memory_space<vmem>>, vector<16xf32>,
    %get3A_215 = arith.constant 112 : index
    %get3A_216 = tpu.vector_load %arg27[%get3A_215] {strides = array<i32>} : memref<128xf32, #tpu.memory_space<vmem>>, vector<16xf32>,
    %mul3A_217 = arith.mulf %get3A_214, %get3A_216 : vector<16xf32>
    %add3A_218 = arith.addf %add3A_210, %mul3A_217 : vector<16xf32>
    %reduce_sum3A_219 = arith.constant true
    %reduce_sum3A_220 = vector.broadcast %reduce_sum3A_219 : i1 to vector<16xi1>
    %reduce_sum3A_221 = tpu.scan <sum>, %add3A_218 masked %reduce_sum3A_220 : vector<16xf32>, vector<16xi1> -> vector<16xf32>
    %reduce_sum3A_222 = vector.extract %reduce_sum3A_221[15] : f32 from vector<16xf32>
    %get3A_223 = arith.constant 1 : i32
    %get3A_224 = arith.index_cast %get3A_223 : i32 to index
    %get3A_225 = arith.constant 0 : index
    %get3A_226 = tpu.vector_load %arg26[%get3A_224, %get3A_225] {strides = array<i32>} : memref<4x64xf32, #tpu.memory_space<vmem>>, vector<16xf32>,
    %get3A_227 = arith.constant 64 : index
    %get3A_228 = tpu.vector_load %arg27[%get3A_227] {strides = array<i32>} : memref<128xf32, #tpu.memory_space<vmem>>, vector<16xf32>,
    %mul3A_229 = arith.mulf %get3A_226, %get3A_228 : vector<16xf32>
    %get3A_230 = arith.constant 1 : i32
    %get3A_231 = arith.index_cast %get3A_230 : i32 to index
    %get3A_232 = arith.constant 16 : index
    %get3A_233 = tpu.vector_load %arg26[%get3A_231, %get3A_232] {strides = array<i32>} : memref<4x64xf32, #tpu.memory_space<vmem>>, vector<16xf32>,
    %get3A_234 = arith.constant 80 : index
    %get3A_235 = tpu.vector_load %arg27[%get3A_234] {strides = array<i32>} : memref<128xf32, #tpu.memory_space<vmem>>, vector<16xf32>,
    %mul3A_236 = arith.mulf %get3A_233, %get3A_235 : vector<16xf32>
    %add3A_237 = arith.addf %mul3A_229, %mul3A_236 : vector<16xf32>
    %get3A_238 = arith.constant 1 : i32
    %get3A_239 = arith.index_cast %get3A_238 : i32 to index
    %get3A_240 = arith.constant 32 : index
    %get3A_241 = tpu.vector_load %arg26[%get3A_239, %get3A_240] {strides = array<i32>} : memref<4x64xf32, #tpu.memory_space<vmem>>, vector<16xf32>,
    %get3A_242 = arith.constant 96 : index
    %get3A_243 = tpu.vector_load %arg27[%get3A_242] {strides = array<i32>} : memref<128xf32, #tpu.memory_space<vmem>>, vector<16xf32>,
    %mul3A_244 = arith.mulf %get3A_241, %get3A_243 : vector<16xf32>
    %add3A_245 = arith.addf %add3A_237, %mul3A_244 : vector<16xf32>
    %get3A_246 = arith.constant 1 : i32
    %get3A_247 = arith.index_cast %get3A_246 : i32 to index
    %get3A_248 = arith.constant 48 : index
    %get3A_249 = tpu.vector_load %arg26[%get3A_247, %get3A_248] {strides = array<i32>} : memref<4x64xf32, #tpu.memory_space<vmem>>, vector<16xf32>,
    %get3A_250 = arith.constant 112 : index
    %get3A_251 = tpu.vector_load %arg27[%get3A_250] {strides = array<i32>} : memref<128xf32, #tpu.memory_space<vmem>>, vector<16xf32>,
    %mul3A_252 = arith.mulf %get3A_249, %get3A_251 : vector<16xf32>
    %add3A_253 = arith.addf %add3A_245, %mul3A_252 : vector<16xf32>
    %reduce_sum3A_254 = arith.constant true
    %reduce_sum3A_255 = vector.broadcast %reduce_sum3A_254 : i1 to vector<16xi1>
    %reduce_sum3A_256 = tpu.scan <sum>, %add3A_253 masked %reduce_sum3A_255 : vector<16xf32>, vector<16xi1> -> vector<16xf32>
    %reduce_sum3A_257 = vector.extract %reduce_sum3A_256[15] : f32 from vector<16xf32>
    %get3A_258 = arith.constant 2 : i32
    %get3A_259 = arith.index_cast %get3A_258 : i32 to index
    %get3A_260 = arith.constant 0 : index
    %get3A_261 = tpu.vector_load %arg26[%get3A_259, %get3A_260] {strides = array<i32>} : memref<4x64xf32, #tpu.memory_space<vmem>>, vector<16xf32>,
    %get3A_262 = arith.constant 64 : index
    %get3A_263 = tpu.vector_load %arg27[%get3A_262] {strides = array<i32>} : memref<128xf32, #tpu.memory_space<vmem>>, vector<16xf32>,
    %mul3A_264 = arith.mulf %get3A_261, %get3A_263 : vector<16xf32>
    %get3A_265 = arith.constant 2 : i32
    %get3A_266 = arith.index_cast %get3A_265 : i32 to index
    %get3A_267 = arith.constant 16 : index
    %get3A_268 = tpu.vector_load %arg26[%get3A_266, %get3A_267] {strides = array<i32>} : memref<4x64xf32, #tpu.memory_space<vmem>>, vector<16xf32>,
    %get3A_269 = arith.constant 80 : index
    %get3A_270 = tpu.vector_load %arg27[%get3A_269] {strides = array<i32>} : memref<128xf32, #tpu.memory_space<vmem>>, vector<16xf32>,
    %mul3A_271 = arith.mulf %get3A_268, %get3A_270 : vector<16xf32>
    %add3A_272 = arith.addf %mul3A_264, %mul3A_271 : vector<16xf32>
    %get3A_273 = arith.constant 2 : i32
    %get3A_274 = arith.index_cast %get3A_273 : i32 to index
    %get3A_275 = arith.constant 32 : index
    %get3A_276 = tpu.vector_load %arg26[%get3A_274, %get3A_275] {strides = array<i32>} : memref<4x64xf32, #tpu.memory_space<vmem>>, vector<16xf32>,
    %get3A_277 = arith.constant 96 : index
    %get3A_278 = tpu.vector_load %arg27[%get3A_277] {strides = array<i32>} : memref<128xf32, #tpu.memory_space<vmem>>, vector<16xf32>,
    %mul3A_279 = arith.mulf %get3A_276, %get3A_278 : vector<16xf32>
    %add3A_280 = arith.addf %add3A_272, %mul3A_279 : vector<16xf32>
    %get3A_281 = arith.constant 2 : i32
    %get3A_282 = arith.index_cast %get3A_281 : i32 to index
    %get3A_283 = arith.constant 48 : index
    %get3A_284 = tpu.vector_load %arg26[%get3A_282, %get3A_283] {strides = array<i32>} : memref<4x64xf32, #tpu.memory_space<vmem>>, vector<16xf32>,
    %get3A_285 = arith.constant 112 : index
    %get3A_286 = tpu.vector_load %arg27[%get3A_285] {strides = array<i32>} : memref<128xf32, #tpu.memory_space<vmem>>, vector<16xf32>,
    %mul3A_287 = arith.mulf %get3A_284, %get3A_286 : vector<16xf32>
    %add3A_288 = arith.addf %add3A_280, %mul3A_287 : vector<16xf32>
    %reduce_sum3A_289 = arith.constant true
    %reduce_sum3A_290 = vector.broadcast %reduce_sum3A_289 : i1 to vector<16xi1>
    %reduce_sum3A_291 = tpu.scan <sum>, %add3A_288 masked %reduce_sum3A_290 : vector<16xf32>, vector<16xi1> -> vector<16xf32>
    %reduce_sum3A_292 = vector.extract %reduce_sum3A_291[15] : f32 from vector<16xf32>
    %get3A_293 = arith.constant 3 : i32
    %get3A_294 = arith.index_cast %get3A_293 : i32 to index
    %get3A_295 = arith.constant 0 : index
    %get3A_296 = tpu.vector_load %arg26[%get3A_294, %get3A_295] {strides = array<i32>} : memref<4x64xf32, #tpu.memory_space<vmem>>, vector<16xf32>,
    %get3A_297 = arith.constant 64 : index
    %get3A_298 = tpu.vector_load %arg27[%get3A_297] {strides = array<i32>} : memref<128xf32, #tpu.memory_space<vmem>>, vector<16xf32>,
    %mul3A_299 = arith.mulf %get3A_296, %get3A_298 : vector<16xf32>
    %get3A_300 = arith.constant 3 : i32
    %get3A_301 = arith.index_cast %get3A_300 : i32 to index
    %get3A_302 = arith.constant 16 : index
    %get3A_303 = tpu.vector_load %arg26[%get3A_301, %get3A_302] {strides = array<i32>} : memref<4x64xf32, #tpu.memory_space<vmem>>, vector<16xf32>,
    %get3A_304 = arith.constant 80 : index
    %get3A_305 = tpu.vector_load %arg27[%get3A_304] {strides = array<i32>} : memref<128xf32, #tpu.memory_space<vmem>>, vector<16xf32>,
    %mul3A_306 = arith.mulf %get3A_303, %get3A_305 : vector<16xf32>
    %add3A_307 = arith.addf %mul3A_299, %mul3A_306 : vector<16xf32>
    %get3A_308 = arith.constant 3 : i32
    %get3A_309 = arith.index_cast %get3A_308 : i32 to index
    %get3A_310 = arith.constant 32 : index
    %get3A_311 = tpu.vector_load %arg26[%get3A_309, %get3A_310] {strides = array<i32>} : memref<4x64xf32, #tpu.memory_space<vmem>>, vector<16xf32>,
    %get3A_312 = arith.constant 96 : index
    %get3A_313 = tpu.vector_load %arg27[%get3A_312] {strides = array<i32>} : memref<128xf32, #tpu.memory_space<vmem>>, vector<16xf32>,
    %mul3A_314 = arith.mulf %get3A_311, %get3A_313 : vector<16xf32>
    %add3A_315 = arith.addf %add3A_307, %mul3A_314 : vector<16xf32>
    %get3A_316 = arith.constant 3 : i32
    %get3A_317 = arith.index_cast %get3A_316 : i32 to index
    %get3A_318 = arith.constant 48 : index
    %get3A_319 = tpu.vector_load %arg26[%get3A_317, %get3A_318] {strides = array<i32>} : memref<4x64xf32, #tpu.memory_space<vmem>>, vector<16xf32>,
    %get3A_320 = arith.constant 112 : index
    %get3A_321 = tpu.vector_load %arg27[%get3A_320] {strides = array<i32>} : memref<128xf32, #tpu.memory_space<vmem>>, vector<16xf32>,
    %mul3A_322 = arith.mulf %get3A_319, %get3A_321 : vector<16xf32>
    %add3A_323 = arith.addf %add3A_315, %mul3A_322 : vector<16xf32>
    %reduce_sum3A_324 = arith.constant true
    %reduce_sum3A_325 = vector.broadcast %reduce_sum3A_324 : i1 to vector<16xi1>
    %reduce_sum3A_326 = tpu.scan <sum>, %add3A_323 masked %reduce_sum3A_325 : vector<16xf32>, vector<16xi1> -> vector<16xf32>
    %reduce_sum3A_327 = vector.extract %reduce_sum3A_326[15] : f32 from vector<16xf32>
    %jit3A = arith.constant 4 : i32
    %div3A = vector.broadcast %jit3A : i32 to vector<16xi32>
    %div3A_328 = arith.divsi %iota3A, %div3A : vector<16xi32>
    %sign3A = arith.constant 0 : i32
    %sign3A_329 = vector.broadcast %sign3A : i32 to vector<16xi32>
    %sign3A_330 = arith.cmpi sgt, %iota3A, %sign3A_329 : vector<16xi32>
    %sign3A_331 = arith.extui %sign3A_330 : vector<16xi1> to vector<16xi32>
    %sign3A_332 = arith.constant 0 : i32
    %sign3A_333 = vector.broadcast %sign3A_332 : i32 to vector<16xi32>
    %sign3A_334 = arith.cmpi slt, %iota3A, %sign3A_333 : vector<16xi32>
    %sign3A_335 = arith.extui %sign3A_334 : vector<16xi1> to vector<16xi32>
    %sign3A_336 = arith.subi %sign3A_331, %sign3A_335 : vector<16xi32>
    %sign3A_337 = arith.constant 0 : i32
    %sign3A_338 = arith.cmpi sgt, %jit3A, %sign3A_337 : i32
    %sign3A_339 = arith.extui %sign3A_338 : i1 to i32
    %sign3A_340 = arith.constant 0 : i32
    %sign3A_341 = arith.cmpi slt, %jit3A, %sign3A_340 : i32
    %sign3A_342 = arith.extui %sign3A_341 : i1 to i32
    %sign3A_343 = arith.subi %sign3A_339, %sign3A_342 : i32
    %ne3A = vector.broadcast %sign3A_343 : i32 to vector<16xi32>
    %ne3A_344 = arith.cmpi ne, %sign3A_336, %ne3A : vector<16xi32>
    %rem3A = vector.broadcast %jit3A : i32 to vector<16xi32>
    %rem3A_345 = arith.remsi %iota3A, %rem3A : vector<16xi32>
    %ne3A_346 = arith.constant 0 : i32
    %ne3A_347 = vector.broadcast %ne3A_346 : i32 to vector<16xi32>
    %ne3A_348 = arith.cmpi ne, %rem3A_345, %ne3A_347 : vector<16xi32>
    %and3A = arith.andi %ne3A_344, %ne3A_348 : vector<16xi1>
    %sub3A_349 = arith.constant 1 : i32
    %sub3A_350 = vector.broadcast %sub3A_349 : i32 to vector<16xi32>
    %sub3A_351 = arith.subi %div3A_328, %sub3A_350 : vector<16xi32>
    %select_n3A = arith.select %and3A, %sub3A_351, %div3A_328 : vector<16xi1>, vector<16xi32>
    %mul3A_352 = arith.constant 4 : i32
    %mul3A_353 = vector.broadcast %mul3A_352 : i32 to vector<16xi32>
    %mul3A_354 = arith.muli %select_n3A, %mul3A_353 : vector<16xi32>
    %sub3A_355 = arith.subi %iota3A, %mul3A_354 : vector<16xi32>
    %eq3A = arith.constant 0 : i32
    %eq3A_356 = vector.broadcast %eq3A : i32 to vector<16xi32>
    %eq3A_357 = arith.cmpi eq, %select_n3A, %eq3A_356 : vector<16xi32>
    %eq3A_358 = arith.constant 1 : i32
    %eq3A_359 = vector.broadcast %eq3A_358 : i32 to vector<16xi32>
    %eq3A_360 = arith.cmpi eq, %select_n3A, %eq3A_359 : vector<16xi32>
    %broadcast_in_dim3A = vector.broadcast %reduce_sum3A_152 : f32 to vector<16xf32>
    %broadcast_in_dim3A_361 = vector.broadcast %reduce_sum3A_187 : f32 to vector<16xf32>
    %select_n3A_362 = arith.select %eq3A_360, %broadcast_in_dim3A, %broadcast_in_dim3A_361 : vector<16xi1>, vector<16xf32>
    %broadcast_in_dim3A_363 = vector.broadcast %reduce_sum3A_117 : f32 to vector<16xf32>
    %select_n3A_364 = arith.select %eq3A_357, %broadcast_in_dim3A_363, %select_n3A_362 : vector<16xi1>, vector<16xf32>
    %eq3A_365 = arith.constant 0 : i32
    %eq3A_366 = vector.broadcast %eq3A_365 : i32 to vector<16xi32>
    %eq3A_367 = arith.cmpi eq, %sub3A_355, %eq3A_366 : vector<16xi32>
    %eq3A_368 = arith.constant 1 : i32
    %eq3A_369 = vector.broadcast %eq3A_368 : i32 to vector<16xi32>
    %eq3A_370 = arith.cmpi eq, %sub3A_355, %eq3A_369 : vector<16xi32>
    %eq3A_371 = arith.constant 2 : i32
    %eq3A_372 = vector.broadcast %eq3A_371 : i32 to vector<16xi32>
    %eq3A_373 = arith.cmpi eq, %sub3A_355, %eq3A_372 : vector<16xi32>
    %broadcast_in_dim3A_374 = vector.broadcast %reduce_sum3A_292 : f32 to vector<16xf32>
    %broadcast_in_dim3A_375 = vector.broadcast %reduce_sum3A_327 : f32 to vector<16xf32>
    %select_n3A_376 = arith.select %eq3A_373, %broadcast_in_dim3A_374, %broadcast_in_dim3A_375 : vector<16xi1>, vector<16xf32>
    %broadcast_in_dim3A_377 = vector.broadcast %reduce_sum3A_257 : f32 to vector<16xf32>
    %select_n3A_378 = arith.select %eq3A_370, %broadcast_in_dim3A_377, %select_n3A_376 : vector<16xi1>, vector<16xf32>
    %broadcast_in_dim3A_379 = vector.broadcast %reduce_sum3A_222 : f32 to vector<16xf32>
    %select_n3A_380 = arith.select %eq3A_367, %broadcast_in_dim3A_379, %select_n3A_378 : vector<16xi1>, vector<16xf32>
    %add3A_381 = arith.addf %select_n3A_364, %select_n3A_380 : vector<16xf32>
    %swap3A = arith.constant 0 : index
    %swap3A_382 = tpu.vector_load %arg30[%swap3A] {strides = array<i32>} : memref<16xf32, #tpu.memory_space<vmem>>, vector<16xf32>,
    tpu.vector_store %arg30[%swap3A], %add3A_381 {strides = array<i32>} : memref<16xf32, #tpu.memory_space<vmem>>, vector<16xf32>,
    %gather3A = tpu.vector_load_idx %arg28[%sub3A] : memref<1xf32, #tpu.memory_space<vmem>>[vector<16xi32>], vector<16xf32>,
    %gather3A_383 = tpu.vector_load_idx %arg29[%sub3A] : memref<1xf32, #tpu.memory_space<vmem>>[vector<16xi32>], vector<16xf32>,
    %scan3A = arith.constant 0 : i32
    %scan3A_384 = arith.constant 0 : i32
    %scan3A_385 = arith.constant 32 : i32
    %scan3A_386 = arith.addi %scan3A_384, %scan3A_385 : i32
    %scan3A_387 = arith.constant 4 : i32
    scf.for %scan3A_459 = %scan3A_384 to %scan3A_386 step %scan3A_387  : i32 {
      %mul3A_460 = arith.constant 16 : i32
      %mul3A_461 = arith.muli %scan3A_459, %mul3A_460 : i32
      %get3A_462 = arith.index_cast %mul3A_461 : i32 to index
      %get3A_463 = tpu.vector_load %arg22[%get3A_462] {strides = array<i32>} : memref<512xi32, #tpu.memory_space<vmem>>, vector<16xi32>,
      %mul3A_464 = arith.constant 4 : i32
      %mul3A_465 = vector.broadcast %mul3A_464 : i32 to vector<16xi32>
      %mul3A_466 = arith.muli %get3A_463, %mul3A_465 : vector<16xi32>
      %get3A_467 = arith.index_cast %mul3A_461 : i32 to index
      %get3A_468 = tpu.vector_load %arg23[%get3A_467] {strides = array<i32>} : memref<512xi32, #tpu.memory_space<vmem>>, vector<16xi32>,
      %add3A_469 = arith.addi %mul3A_466, %get3A_468 : vector<16xi32>
      %gather3A_470 = tpu.vector_load_idx %arg30[%add3A_469] : memref<16xf32, #tpu.memory_space<vmem>>[vector<16xi32>], vector<16xf32>,
      %get3A_471 = arith.index_cast %mul3A_461 : i32 to index
      %get3A_472 = tpu.vector_load %arg21[%get3A_471] {strides = array<i32>} : memref<512xf32, #tpu.memory_space<vmem>>, vector<16xf32>,
      %get3A_473 = arith.index_cast %mul3A_461 : i32 to index
      %get3A_474 = tpu.vector_load %arg19[%get3A_473] {strides = array<i32>} : memref<512xf32, #tpu.memory_space<vmem>>, vector<16xf32>,
      %mul3A_475 = arith.mulf %get3A_474, %gather3A : vector<16xf32>
      %add3A_476 = arith.addf %get3A_472, %mul3A_475 : vector<16xf32>
      %get3A_477 = arith.index_cast %mul3A_461 : i32 to index
      %get3A_478 = tpu.vector_load %arg20[%get3A_477] {strides = array<i32>} : memref<512xf32, #tpu.memory_space<vmem>>, vector<16xf32>,
      %mul3A_479 = arith.mulf %get3A_478, %gather3A_383 : vector<16xf32>
      %add3A_480 = arith.addf %add3A_476, %mul3A_479 : vector<16xf32>
      %add3A_481 = arith.addf %add3A_480, %gather3A_470 : vector<16xf32>
      %swap3A_482 = arith.index_cast %mul3A_461 : i32 to index
      %swap3A_483 = tpu.vector_load %arg24[%swap3A_482] {strides = array<i32>} : memref<512xf32, #tpu.memory_space<vmem>>, vector<16xf32>,
      tpu.vector_store %arg24[%swap3A_482], %add3A_481 {strides = array<i32>} : memref<512xf32, #tpu.memory_space<vmem>>, vector<16xf32>,
      %scan3A_484 = arith.constant 1 : i32
      %scan3A_485 = arith.addi %scan3A_459, %scan3A_484 : i32
      %mul3A_486 = arith.constant 16 : i32
      %mul3A_487 = arith.muli %scan3A_485, %mul3A_486 : i32
      %get3A_488 = arith.index_cast %mul3A_487 : i32 to index
      %get3A_489 = tpu.vector_load %arg22[%get3A_488] {strides = array<i32>} : memref<512xi32, #tpu.memory_space<vmem>>, vector<16xi32>,
      %mul3A_490 = arith.constant 4 : i32
      %mul3A_491 = vector.broadcast %mul3A_490 : i32 to vector<16xi32>
      %mul3A_492 = arith.muli %get3A_489, %mul3A_491 : vector<16xi32>
      %get3A_493 = arith.index_cast %mul3A_487 : i32 to index
      %get3A_494 = tpu.vector_load %arg23[%get3A_493] {strides = array<i32>} : memref<512xi32, #tpu.memory_space<vmem>>, vector<16xi32>,
      %add3A_495 = arith.addi %mul3A_492, %get3A_494 : vector<16xi32>
      %gather3A_496 = tpu.vector_load_idx %arg30[%add3A_495] : memref<16xf32, #tpu.memory_space<vmem>>[vector<16xi32>], vector<16xf32>,
      %get3A_497 = arith.index_cast %mul3A_487 : i32 to index
      %get3A_498 = tpu.vector_load %arg21[%get3A_497] {strides = array<i32>} : memref<512xf32, #tpu.memory_space<vmem>>, vector<16xf32>,
      %get3A_499 = arith.index_cast %mul3A_487 : i32 to index
      %get3A_500 = tpu.vector_load %arg19[%get3A_499] {strides = array<i32>} : memref<512xf32, #tpu.memory_space<vmem>>, vector<16xf32>,
      %mul3A_501 = arith.mulf %get3A_500, %gather3A : vector<16xf32>
      %add3A_502 = arith.addf %get3A_498, %mul3A_501 : vector<16xf32>
      %get3A_503 = arith.index_cast %mul3A_487 : i32 to index
      %get3A_504 = tpu.vector_load %arg20[%get3A_503] {strides = array<i32>} : memref<512xf32, #tpu.memory_space<vmem>>, vector<16xf32>,
      %mul3A_505 = arith.mulf %get3A_504, %gather3A_383 : vector<16xf32>
      %add3A_506 = arith.addf %add3A_502, %mul3A_505 : vector<16xf32>
      %add3A_507 = arith.addf %add3A_506, %gather3A_496 : vector<16xf32>
      %swap3A_508 = arith.index_cast %mul3A_487 : i32 to index
      %swap3A_509 = tpu.vector_load %arg24[%swap3A_508] {strides = array<i32>} : memref<512xf32, #tpu.memory_space<vmem>>, vector<16xf32>,
      tpu.vector_store %arg24[%swap3A_508], %add3A_507 {strides = array<i32>} : memref<512xf32, #tpu.memory_space<vmem>>, vector<16xf32>,
      %scan3A_510 = arith.constant 2 : i32
      %scan3A_511 = arith.addi %scan3A_459, %scan3A_510 : i32
      %mul3A_512 = arith.constant 16 : i32
      %mul3A_513 = arith.muli %scan3A_511, %mul3A_512 : i32
      %get3A_514 = arith.index_cast %mul3A_513 : i32 to index
      %get3A_515 = tpu.vector_load %arg22[%get3A_514] {strides = array<i32>} : memref<512xi32, #tpu.memory_space<vmem>>, vector<16xi32>,
      %mul3A_516 = arith.constant 4 : i32
      %mul3A_517 = vector.broadcast %mul3A_516 : i32 to vector<16xi32>
      %mul3A_518 = arith.muli %get3A_515, %mul3A_517 : vector<16xi32>
      %get3A_519 = arith.index_cast %mul3A_513 : i32 to index
      %get3A_520 = tpu.vector_load %arg23[%get3A_519] {strides = array<i32>} : memref<512xi32, #tpu.memory_space<vmem>>, vector<16xi32>,
      %add3A_521 = arith.addi %mul3A_518, %get3A_520 : vector<16xi32>
      %gather3A_522 = tpu.vector_load_idx %arg30[%add3A_521] : memref<16xf32, #tpu.memory_space<vmem>>[vector<16xi32>], vector<16xf32>,
      %get3A_523 = arith.index_cast %mul3A_513 : i32 to index
      %get3A_524 = tpu.vector_load %arg21[%get3A_523] {strides = array<i32>} : memref<512xf32, #tpu.memory_space<vmem>>, vector<16xf32>,
      %get3A_525 = arith.index_cast %mul3A_513 : i32 to index
      %get3A_526 = tpu.vector_load %arg19[%get3A_525] {strides = array<i32>} : memref<512xf32, #tpu.memory_space<vmem>>, vector<16xf32>,
      %mul3A_527 = arith.mulf %get3A_526, %gather3A : vector<16xf32>
      %add3A_528 = arith.addf %get3A_524, %mul3A_527 : vector<16xf32>
      %get3A_529 = arith.index_cast %mul3A_513 : i32 to index
      %get3A_530 = tpu.vector_load %arg20[%get3A_529] {strides = array<i32>} : memref<512xf32, #tpu.memory_space<vmem>>, vector<16xf32>,
      %mul3A_531 = arith.mulf %get3A_530, %gather3A_383 : vector<16xf32>
      %add3A_532 = arith.addf %add3A_528, %mul3A_531 : vector<16xf32>
      %add3A_533 = arith.addf %add3A_532, %gather3A_522 : vector<16xf32>
      %swap3A_534 = arith.index_cast %mul3A_513 : i32 to index
      %swap3A_535 = tpu.vector_load %arg24[%swap3A_534] {strides = array<i32>} : memref<512xf32, #tpu.memory_space<vmem>>, vector<16xf32>,
      tpu.vector_store %arg24[%swap3A_534], %add3A_533 {strides = array<i32>} : memref<512xf32, #tpu.memory_space<vmem>>, vector<16xf32>,
      %scan3A_536 = arith.constant 3 : i32
      %scan3A_537 = arith.addi %scan3A_459, %scan3A_536 : i32
      %mul3A_538 = arith.constant 16 : i32
      %mul3A_539 = arith.muli %scan3A_537, %mul3A_538 : i32
      %get3A_540 = arith.index_cast %mul3A_539 : i32 to index
      %get3A_541 = tpu.vector_load %arg22[%get3A_540] {strides = array<i32>} : memref<512xi32, #tpu.memory_space<vmem>>, vector<16xi32>,
      %mul3A_542 = arith.constant 4 : i32
      %mul3A_543 = vector.broadcast %mul3A_542 : i32 to vector<16xi32>
      %mul3A_544 = arith.muli %get3A_541, %mul3A_543 : vector<16xi32>
      %get3A_545 = arith.index_cast %mul3A_539 : i32 to index
      %get3A_546 = tpu.vector_load %arg23[%get3A_545] {strides = array<i32>} : memref<512xi32, #tpu.memory_space<vmem>>, vector<16xi32>,
      %add3A_547 = arith.addi %mul3A_544, %get3A_546 : vector<16xi32>
      %gather3A_548 = tpu.vector_load_idx %arg30[%add3A_547] : memref<16xf32, #tpu.memory_space<vmem>>[vector<16xi32>], vector<16xf32>,
      %get3A_549 = arith.index_cast %mul3A_539 : i32 to index
      %get3A_550 = tpu.vector_load %arg21[%get3A_549] {strides = array<i32>} : memref<512xf32, #tpu.memory_space<vmem>>, vector<16xf32>,
      %get3A_551 = arith.index_cast %mul3A_539 : i32 to index
      %get3A_552 = tpu.vector_load %arg19[%get3A_551] {strides = array<i32>} : memref<512xf32, #tpu.memory_space<vmem>>, vector<16xf32>,
      %mul3A_553 = arith.mulf %get3A_552, %gather3A : vector<16xf32>
      %add3A_554 = arith.addf %get3A_550, %mul3A_553 : vector<16xf32>
      %get3A_555 = arith.index_cast %mul3A_539 : i32 to index
      %get3A_556 = tpu.vector_load %arg20[%get3A_555] {strides = array<i32>} : memref<512xf32, #tpu.memory_space<vmem>>, vector<16xf32>,
      %mul3A_557 = arith.mulf %get3A_556, %gather3A_383 : vector<16xf32>
      %add3A_558 = arith.addf %add3A_554, %mul3A_557 : vector<16xf32>
      %add3A_559 = arith.addf %add3A_558, %gather3A_548 : vector<16xf32>
      %swap3A_560 = arith.index_cast %mul3A_539 : i32 to index
      %swap3A_561 = tpu.vector_load %arg24[%swap3A_560] {strides = array<i32>} : memref<512xf32, #tpu.memory_space<vmem>>, vector<16xf32>,
      tpu.vector_store %arg24[%swap3A_560], %add3A_559 {strides = array<i32>} : memref<512xf32, #tpu.memory_space<vmem>>, vector<16xf32>,
    }
    %scan3A_388 = arith.constant 32 : i32
    %dma_wait3A_389 = arith.constant 0 : i32
    %dma_wait3A_390 = arith.constant 0 : i32
    %dma_wait3A_391 = tpu.memref_slice %arg17[%dma_wait3A_390] : memref<512xf32, #tpu.memory_space<vmem>> -> memref<128xf32, #tpu.memory_space<vmem>>
    %dma_wait3A_392 = arith.constant 0 : i32
    %dma_wait3A_393 = tpu.memref_slice %arg16[%dma_wait3A_389, %dma_wait3A_392] : memref<4x128xi32, #tpu.memory_space<vmem>> -> memref<1x128xi32, #tpu.memory_space<vmem>>
    %dma_wait3A_394 = tpu.memref_squeeze %dma_wait3A_393 : memref<1x128xi32, #tpu.memory_space<vmem>> -> memref<128xi32, #tpu.memory_space<vmem>>
    %dma_wait3A_395 = arith.constant 0 : i32
    %dma_wait3A_396 = tpu.memref_slice %arg10[%dma_wait3A_395] : memref<100000xf32, #tpu.memory_space<hbm>> -> memref<100000xf32, #tpu.memory_space<hbm>>
    tpu.wait_indirect_dma semaphore(%arg31 : memref<!tpu.dma_semaphore, #tpu.memory_space<semaphore_mem>>) src(%dma_wait3A_396 : memref<100000xf32, #tpu.memory_space<hbm>>) dst(%dma_wait3A_391 : memref<128xf32, #tpu.memory_space<vmem>>)
    %dma_wait3A_397 = arith.constant 0 : i32
    %dma_wait3A_398 = arith.constant 0 : i32
    %dma_wait3A_399 = tpu.memref_slice %arg18[%dma_wait3A_398] : memref<512xf32, #tpu.memory_space<vmem>> -> memref<128xf32, #tpu.memory_space<vmem>>
    %dma_wait3A_400 = arith.constant 0 : i32
    %dma_wait3A_401 = tpu.memref_slice %arg16[%dma_wait3A_397, %dma_wait3A_400] : memref<4x128xi32, #tpu.memory_space<vmem>> -> memref<1x128xi32, #tpu.memory_space<vmem>>
    %dma_wait3A_402 = tpu.memref_squeeze %dma_wait3A_401 : memref<1x128xi32, #tpu.memory_space<vmem>> -> memref<128xi32, #tpu.memory_space<vmem>>
    %dma_wait3A_403 = arith.constant 0 : i32
    %dma_wait3A_404 = tpu.memref_slice %arg11[%dma_wait3A_403] : memref<100000xf32, #tpu.memory_space<hbm>> -> memref<100000xf32, #tpu.memory_space<hbm>>
    tpu.wait_indirect_dma semaphore(%arg31 : memref<!tpu.dma_semaphore, #tpu.memory_space<semaphore_mem>>) src(%dma_wait3A_404 : memref<100000xf32, #tpu.memory_space<hbm>>) dst(%dma_wait3A_399 : memref<128xf32, #tpu.memory_space<vmem>>)
    %dma_wait3A_405 = arith.constant 1 : i32
    %dma_wait3A_406 = arith.constant 128 : i32
    %dma_wait3A_407 = tpu.memref_slice %arg17[%dma_wait3A_406] : memref<512xf32, #tpu.memory_space<vmem>> -> memref<128xf32, #tpu.memory_space<vmem>>
    %dma_wait3A_408 = arith.constant 0 : i32
    %dma_wait3A_409 = tpu.memref_slice %arg16[%dma_wait3A_405, %dma_wait3A_408] : memref<4x128xi32, #tpu.memory_space<vmem>> -> memref<1x128xi32, #tpu.memory_space<vmem>>
    %dma_wait3A_410 = tpu.memref_squeeze %dma_wait3A_409 : memref<1x128xi32, #tpu.memory_space<vmem>> -> memref<128xi32, #tpu.memory_space<vmem>>
    %dma_wait3A_411 = arith.constant 0 : i32
    %dma_wait3A_412 = tpu.memref_slice %arg10[%dma_wait3A_411] : memref<100000xf32, #tpu.memory_space<hbm>> -> memref<100000xf32, #tpu.memory_space<hbm>>
    tpu.wait_indirect_dma semaphore(%arg31 : memref<!tpu.dma_semaphore, #tpu.memory_space<semaphore_mem>>) src(%dma_wait3A_412 : memref<100000xf32, #tpu.memory_space<hbm>>) dst(%dma_wait3A_407 : memref<128xf32, #tpu.memory_space<vmem>>)
    %dma_wait3A_413 = arith.constant 1 : i32
    %dma_wait3A_414 = arith.constant 128 : i32
    %dma_wait3A_415 = tpu.memref_slice %arg18[%dma_wait3A_414] : memref<512xf32, #tpu.memory_space<vmem>> -> memref<128xf32, #tpu.memory_space<vmem>>
    %dma_wait3A_416 = arith.constant 0 : i32
    %dma_wait3A_417 = tpu.memref_slice %arg16[%dma_wait3A_413, %dma_wait3A_416] : memref<4x128xi32, #tpu.memory_space<vmem>> -> memref<1x128xi32, #tpu.memory_space<vmem>>
    %dma_wait3A_418 = tpu.memref_squeeze %dma_wait3A_417 : memref<1x128xi32, #tpu.memory_space<vmem>> -> memref<128xi32, #tpu.memory_space<vmem>>
    %dma_wait3A_419 = arith.constant 0 : i32
    %dma_wait3A_420 = tpu.memref_slice %arg11[%dma_wait3A_419] : memref<100000xf32, #tpu.memory_space<hbm>> -> memref<100000xf32, #tpu.memory_space<hbm>>
    tpu.wait_indirect_dma semaphore(%arg31 : memref<!tpu.dma_semaphore, #tpu.memory_space<semaphore_mem>>) src(%dma_wait3A_420 : memref<100000xf32, #tpu.memory_space<hbm>>) dst(%dma_wait3A_415 : memref<128xf32, #tpu.memory_space<vmem>>)
    %dma_wait3A_421 = arith.constant 2 : i32
    %dma_wait3A_422 = arith.constant 256 : i32
    %dma_wait3A_423 = tpu.memref_slice %arg17[%dma_wait3A_422] : memref<512xf32, #tpu.memory_space<vmem>> -> memref<128xf32, #tpu.memory_space<vmem>>
    %dma_wait3A_424 = arith.constant 0 : i32
    %dma_wait3A_425 = tpu.memref_slice %arg16[%dma_wait3A_421, %dma_wait3A_424] : memref<4x128xi32, #tpu.memory_space<vmem>> -> memref<1x128xi32, #tpu.memory_space<vmem>>
    %dma_wait3A_426 = tpu.memref_squeeze %dma_wait3A_425 : memref<1x128xi32, #tpu.memory_space<vmem>> -> memref<128xi32, #tpu.memory_space<vmem>>
    %dma_wait3A_427 = arith.constant 0 : i32
    %dma_wait3A_428 = tpu.memref_slice %arg10[%dma_wait3A_427] : memref<100000xf32, #tpu.memory_space<hbm>> -> memref<100000xf32, #tpu.memory_space<hbm>>
    tpu.wait_indirect_dma semaphore(%arg31 : memref<!tpu.dma_semaphore, #tpu.memory_space<semaphore_mem>>) src(%dma_wait3A_428 : memref<100000xf32, #tpu.memory_space<hbm>>) dst(%dma_wait3A_423 : memref<128xf32, #tpu.memory_space<vmem>>)
    %dma_wait3A_429 = arith.constant 2 : i32
    %dma_wait3A_430 = arith.constant 256 : i32
    %dma_wait3A_431 = tpu.memref_slice %arg18[%dma_wait3A_430] : memref<512xf32, #tpu.memory_space<vmem>> -> memref<128xf32, #tpu.memory_space<vmem>>
    %dma_wait3A_432 = arith.constant 0 : i32
    %dma_wait3A_433 = tpu.memref_slice %arg16[%dma_wait3A_429, %dma_wait3A_432] : memref<4x128xi32, #tpu.memory_space<vmem>> -> memref<1x128xi32, #tpu.memory_space<vmem>>
    %dma_wait3A_434 = tpu.memref_squeeze %dma_wait3A_433 : memref<1x128xi32, #tpu.memory_space<vmem>> -> memref<128xi32, #tpu.memory_space<vmem>>
    %dma_wait3A_435 = arith.constant 0 : i32
    %dma_wait3A_436 = tpu.memref_slice %arg11[%dma_wait3A_435] : memref<100000xf32, #tpu.memory_space<hbm>> -> memref<100000xf32, #tpu.memory_space<hbm>>
    tpu.wait_indirect_dma semaphore(%arg31 : memref<!tpu.dma_semaphore, #tpu.memory_space<semaphore_mem>>) src(%dma_wait3A_436 : memref<100000xf32, #tpu.memory_space<hbm>>) dst(%dma_wait3A_431 : memref<128xf32, #tpu.memory_space<vmem>>)
    %dma_wait3A_437 = arith.constant 3 : i32
    %dma_wait3A_438 = arith.constant 384 : i32
    %dma_wait3A_439 = tpu.memref_slice %arg17[%dma_wait3A_438] : memref<512xf32, #tpu.memory_space<vmem>> -> memref<128xf32, #tpu.memory_space<vmem>>
    %dma_wait3A_440 = arith.constant 0 : i32
    %dma_wait3A_441 = tpu.memref_slice %arg16[%dma_wait3A_437, %dma_wait3A_440] : memref<4x128xi32, #tpu.memory_space<vmem>> -> memref<1x128xi32, #tpu.memory_space<vmem>>
    %dma_wait3A_442 = tpu.memref_squeeze %dma_wait3A_441 : memref<1x128xi32, #tpu.memory_space<vmem>> -> memref<128xi32, #tpu.memory_space<vmem>>
    %dma_wait3A_443 = arith.constant 0 : i32
    %dma_wait3A_444 = tpu.memref_slice %arg10[%dma_wait3A_443] : memref<100000xf32, #tpu.memory_space<hbm>> -> memref<100000xf32, #tpu.memory_space<hbm>>
    tpu.wait_indirect_dma semaphore(%arg31 : memref<!tpu.dma_semaphore, #tpu.memory_space<semaphore_mem>>) src(%dma_wait3A_444 : memref<100000xf32, #tpu.memory_space<hbm>>) dst(%dma_wait3A_439 : memref<128xf32, #tpu.memory_space<vmem>>)
    %dma_wait3A_445 = arith.constant 3 : i32
    %dma_wait3A_446 = arith.constant 384 : i32
    %dma_wait3A_447 = tpu.memref_slice %arg18[%dma_wait3A_446] : memref<512xf32, #tpu.memory_space<vmem>> -> memref<128xf32, #tpu.memory_space<vmem>>
    %dma_wait3A_448 = arith.constant 0 : i32
    %dma_wait3A_449 = tpu.memref_slice %arg16[%dma_wait3A_445, %dma_wait3A_448] : memref<4x128xi32, #tpu.memory_space<vmem>> -> memref<1x128xi32, #tpu.memory_space<vmem>>
    %dma_wait3A_450 = tpu.memref_squeeze %dma_wait3A_449 : memref<1x128xi32, #tpu.memory_space<vmem>> -> memref<128xi32, #tpu.memory_space<vmem>>
    %dma_wait3A_451 = arith.constant 0 : i32
    %dma_wait3A_452 = tpu.memref_slice %arg11[%dma_wait3A_451] : memref<100000xf32, #tpu.memory_space<hbm>> -> memref<100000xf32, #tpu.memory_space<hbm>>
    tpu.wait_indirect_dma semaphore(%arg31 : memref<!tpu.dma_semaphore, #tpu.memory_space<semaphore_mem>>) src(%dma_wait3A_452 : memref<100000xf32, #tpu.memory_space<hbm>>) dst(%dma_wait3A_447 : memref<128xf32, #tpu.memory_space<vmem>>)
    %scan3A_453 = arith.constant 0 : i32
    %scan3A_454 = arith.constant 0 : i32
    %scan3A_455 = arith.constant 32 : i32
    %scan3A_456 = arith.addi %scan3A_454, %scan3A_455 : i32
    %scan3A_457 = arith.constant 4 : i32
    scf.for %scan3A_459 = %scan3A_454 to %scan3A_456 step %scan3A_457  : i32 {
      %mul3A_460 = arith.constant 16 : i32
      %mul3A_461 = arith.muli %scan3A_459, %mul3A_460 : i32
      %get3A_462 = arith.index_cast %mul3A_461 : i32 to index
      %get3A_463 = tpu.vector_load %arg24[%get3A_462] {strides = array<i32>} : memref<512xf32, #tpu.memory_space<vmem>>, vector<16xf32>,
      %get3A_464 = arith.index_cast %mul3A_461 : i32 to index
      %get3A_465 = tpu.vector_load %arg17[%get3A_464] {strides = array<i32>} : memref<512xf32, #tpu.memory_space<vmem>>, vector<16xf32>,
      %add3A_466 = arith.addf %get3A_463, %get3A_465 : vector<16xf32>
      %get3A_467 = arith.index_cast %mul3A_461 : i32 to index
      %get3A_468 = tpu.vector_load %arg18[%get3A_467] {strides = array<i32>} : memref<512xf32, #tpu.memory_space<vmem>>, vector<16xf32>,
      %get3A_469 = arith.index_cast %mul3A_461 : i32 to index
      %get3A_470 = tpu.vector_load %arg19[%get3A_469] {strides = array<i32>} : memref<512xf32, #tpu.memory_space<vmem>>, vector<16xf32>,
      %mul3A_471 = arith.mulf %get3A_468, %get3A_470 : vector<16xf32>
      %add3A_472 = arith.addf %add3A_466, %mul3A_471 : vector<16xf32>
      %swap3A_473 = arith.index_cast %mul3A_461 : i32 to index
      %swap3A_474 = tpu.vector_load %arg24[%swap3A_473] {strides = array<i32>} : memref<512xf32, #tpu.memory_space<vmem>>, vector<16xf32>,
      tpu.vector_store %arg24[%swap3A_473], %add3A_472 {strides = array<i32>} : memref<512xf32, #tpu.memory_space<vmem>>, vector<16xf32>,
      %scan3A_475 = arith.constant 1 : i32
      %scan3A_476 = arith.addi %scan3A_459, %scan3A_475 : i32
      %mul3A_477 = arith.constant 16 : i32
      %mul3A_478 = arith.muli %scan3A_476, %mul3A_477 : i32
      %get3A_479 = arith.index_cast %mul3A_478 : i32 to index
      %get3A_480 = tpu.vector_load %arg24[%get3A_479] {strides = array<i32>} : memref<512xf32, #tpu.memory_space<vmem>>, vector<16xf32>,
      %get3A_481 = arith.index_cast %mul3A_478 : i32 to index
      %get3A_482 = tpu.vector_load %arg17[%get3A_481] {strides = array<i32>} : memref<512xf32, #tpu.memory_space<vmem>>, vector<16xf32>,
      %add3A_483 = arith.addf %get3A_480, %get3A_482 : vector<16xf32>
      %get3A_484 = arith.index_cast %mul3A_478 : i32 to index
      %get3A_485 = tpu.vector_load %arg18[%get3A_484] {strides = array<i32>} : memref<512xf32, #tpu.memory_space<vmem>>, vector<16xf32>,
      %get3A_486 = arith.index_cast %mul3A_478 : i32 to index
      %get3A_487 = tpu.vector_load %arg19[%get3A_486] {strides = array<i32>} : memref<512xf32, #tpu.memory_space<vmem>>, vector<16xf32>,
      %mul3A_488 = arith.mulf %get3A_485, %get3A_487 : vector<16xf32>
      %add3A_489 = arith.addf %add3A_483, %mul3A_488 : vector<16xf32>
      %swap3A_490 = arith.index_cast %mul3A_478 : i32 to index
      %swap3A_491 = tpu.vector_load %arg24[%swap3A_490] {strides = array<i32>} : memref<512xf32, #tpu.memory_space<vmem>>, vector<16xf32>,
      tpu.vector_store %arg24[%swap3A_490], %add3A_489 {strides = array<i32>} : memref<512xf32, #tpu.memory_space<vmem>>, vector<16xf32>,
      %scan3A_492 = arith.constant 2 : i32
      %scan3A_493 = arith.addi %scan3A_459, %scan3A_492 : i32
      %mul3A_494 = arith.constant 16 : i32
      %mul3A_495 = arith.muli %scan3A_493, %mul3A_494 : i32
      %get3A_496 = arith.index_cast %mul3A_495 : i32 to index
      %get3A_497 = tpu.vector_load %arg24[%get3A_496] {strides = array<i32>} : memref<512xf32, #tpu.memory_space<vmem>>, vector<16xf32>,
      %get3A_498 = arith.index_cast %mul3A_495 : i32 to index
      %get3A_499 = tpu.vector_load %arg17[%get3A_498] {strides = array<i32>} : memref<512xf32, #tpu.memory_space<vmem>>, vector<16xf32>,
      %add3A_500 = arith.addf %get3A_497, %get3A_499 : vector<16xf32>
      %get3A_501 = arith.index_cast %mul3A_495 : i32 to index
      %get3A_502 = tpu.vector_load %arg18[%get3A_501] {strides = array<i32>} : memref<512xf32, #tpu.memory_space<vmem>>, vector<16xf32>,
      %get3A_503 = arith.index_cast %mul3A_495 : i32 to index
      %get3A_504 = tpu.vector_load %arg19[%get3A_503] {strides = array<i32>} : memref<512xf32, #tpu.memory_space<vmem>>, vector<16xf32>,
      %mul3A_505 = arith.mulf %get3A_502, %get3A_504 : vector<16xf32>
      %add3A_506 = arith.addf %add3A_500, %mul3A_505 : vector<16xf32>
      %swap3A_507 = arith.index_cast %mul3A_495 : i32 to index
      %swap3A_508 = tpu.vector_load %arg24[%swap3A_507] {strides = array<i32>} : memref<512xf32, #tpu.memory_space<vmem>>, vector<16xf32>,
      tpu.vector_store %arg24[%swap3A_507], %add3A_506 {strides = array<i32>} : memref<512xf32, #tpu.memory_space<vmem>>, vector<16xf32>,
      %scan3A_509 = arith.constant 3 : i32
      %scan3A_510 = arith.addi %scan3A_459, %scan3A_509 : i32
      %mul3A_511 = arith.constant 16 : i32
      %mul3A_512 = arith.muli %scan3A_510, %mul3A_511 : i32
      %get3A_513 = arith.index_cast %mul3A_512 : i32 to index
      %get3A_514 = tpu.vector_load %arg24[%get3A_513] {strides = array<i32>} : memref<512xf32, #tpu.memory_space<vmem>>, vector<16xf32>,
      %get3A_515 = arith.index_cast %mul3A_512 : i32 to index
      %get3A_516 = tpu.vector_load %arg17[%get3A_515] {strides = array<i32>} : memref<512xf32, #tpu.memory_space<vmem>>, vector<16xf32>,
      %add3A_517 = arith.addf %get3A_514, %get3A_516 : vector<16xf32>
      %get3A_518 = arith.index_cast %mul3A_512 : i32 to index
      %get3A_519 = tpu.vector_load %arg18[%get3A_518] {strides = array<i32>} : memref<512xf32, #tpu.memory_space<vmem>>, vector<16xf32>,
      %get3A_520 = arith.index_cast %mul3A_512 : i32 to index
      %get3A_521 = tpu.vector_load %arg19[%get3A_520] {strides = array<i32>} : memref<512xf32, #tpu.memory_space<vmem>>, vector<16xf32>,
      %mul3A_522 = arith.mulf %get3A_519, %get3A_521 : vector<16xf32>
      %add3A_523 = arith.addf %add3A_517, %mul3A_522 : vector<16xf32>
      %swap3A_524 = arith.index_cast %mul3A_512 : i32 to index
      %swap3A_525 = tpu.vector_load %arg24[%swap3A_524] {strides = array<i32>} : memref<512xf32, #tpu.memory_space<vmem>>, vector<16xf32>,
      tpu.vector_store %arg24[%swap3A_524], %add3A_523 {strides = array<i32>} : memref<512xf32, #tpu.memory_space<vmem>>, vector<16xf32>,
    }
    %scan3A_458 = arith.constant 32 : i32
    "tpu.region"() ({
      %run_scoped3A = tpu.sem_alloc : memref<!tpu.dma_semaphore, #tpu.memory_space<semaphore_mem>>
      %dma_start3A_459 = tpu.memref_slice %arg15[%mul3A_2] : memref<16384xf32, #tpu.memory_space<hbm>> -> memref<512xf32, #tpu.memory_space<hbm>>
      %dma_start3A_460 = tpu.memref_slice %arg15[%mul3A_2] : memref<16384xf32, #tpu.memory_space<hbm>> -> memref<512xf32, #tpu.memory_space<hbm>>
      tpu.enqueue_dma source(%arg24 : memref<512xf32, #tpu.memory_space<vmem>>) target(%dma_start3A_460 : memref<512xf32, #tpu.memory_space<hbm>>) target_semaphore(%run_scoped3A : memref<!tpu.dma_semaphore, #tpu.memory_space<semaphore_mem>>)
      %dma_wait3A_461 = tpu.memref_slice %arg15[%mul3A_2] : memref<16384xf32, #tpu.memory_space<hbm>> -> memref<512xf32, #tpu.memory_space<hbm>>
      %dma_wait3A_462 = tpu.memref_slice %arg15[%mul3A_2] : memref<16384xf32, #tpu.memory_space<hbm>> -> memref<512xf32, #tpu.memory_space<hbm>>
      tpu.wait_dma2 semaphore(%run_scoped3A : memref<!tpu.dma_semaphore, #tpu.memory_space<semaphore_mem>>) src(%arg24 : memref<512xf32, #tpu.memory_space<vmem>>) dst(%dma_wait3A_462 : memref<512xf32, #tpu.memory_space<hbm>>)
      tpu.yield
    }) : () -> ()
    return
  }
}

</mosaic_0001>

<sc_bundles>
// kernel: kernel.3.cloned.1.call-start
scs
__scs_entry_jumppad:
0x0: {  	(pc) =	sbr.rel $0x88, $3  }
0x1: {  	(tag) =	ssettag $0x0;
	lr =	simm.s32 $0x1  }
0x2: {  	[smem:$0x3F94] =	sst lr;
	_ =	strace $0xD0000000  }
0x3: {  	_ = 	snop  }
0x4: {  	_ = 	snop  }
0x5: {  	_ = 	snop  }
0x6: {  	_ = 	snop  }
0x7: {  	_ = 	snop  }
__scs_overlays_trampoline_lowered:
0x8: {  	[smem:$0x3FA3] =	sst s0  }
0x9: {  	[smem:$0x3FA4] =	sst s1  }
0xa: {  	[smem:$0x3FA5] =	sst s2  }
0xb: {  	[smem:$0x3FA6] =	sst s3  }
0xc: {  	[smem:$0x3FA7] =	sst s4  }
0xd: {  	[smem:$0x3FA8] =	sst s5  }
0xe: {  	[smem:$0x3FA9] =	sst s6  }
0xf: {  	[smem:$0x3FAA] =	sst s7  }
0x10: {  	[smem:$0x3FAB] =	sst s8  }
0x11: {  	[smem:$0x3FAC] =	sst s9;
	s0 =	simm.s32 @!p0 $0x0  }
0x12: {  	s1 =	sld [smem:$0x3F92];
	s0 =	simm.s32 @p0 $0x1  }
0x13: {  	[smem:$0x3FAD] =	sst s0;
	s0 =	simm.s32 @!p1 $0x0  }
0x14: {  	s2 =	sld [smem:$0x3F91];
	s0 =	simm.s32 @p1 $0x1  }
0x15: {  	[smem:$0x3FAE] =	sst s0;
	s0 =	simm.s32 @!p2 $0x0  }
0x16: {  	s3 =	sld [smem:$0x3FDB];
	s0 =	simm.s32 @p2 $0x1  }
0x17: {  	s4 =	simm.s32 $0x1BF5;
	[smem:$0x3FB0] =	sst s0  }
0x18: {  	s0 =	sld [smem:$0x3F93];
	_ =	swait.ge [sflag:s4], $0x0  }
0x19: {  	s7 =	sld [smem:$0x3F94]  }
0x1a: {  	s8 =	sadd.s32 $0xFFFFE003, lr  }
0x1b: {  	s9 =	sadd.s32 $0xFFFFFEF7, lr;
	s5 =	simm.s32 $0xFFFFFFFF;
	p2 =	slt.u32 s8, $0xFFFFF086  }
0x1c: {  	p1 =	slt.u32 s9, $0xF7A;
	s5 =	simm.s32 @!p2 $0x0  }
0x1d: {  	s5 =	simm.s32 @p1 $0x1;
	p0 =	seq.s32 s7, s2  }
0x1e: {  	s7 =	smul.u32 @!p0 $0xF7A, s2;
	p2 =	seq.s32 @!p0 s5, $0x0  }
0x1f: {  	s9 =	smul.u32 $0xF7A, s1;
	s8 =	simm.s32 @!p0 $0x1BF5;
	p2 =	por !p2, p0  }
0x20: {  	[sflag:s8] =	ssyncset.s32 @!p0 $0xFFFFF086;
	s6 =	sadd.s32 @!p0 s3, s7;
	s7 =	simm.s32 @!p0 $0x108  }
0x21: {  	s3 =	sadd.s32 s3, s9;
	s6 =	sadd.s32 @!p0 $0x88, s6;
	s7 =	simm.s32 @p2 $0x1082  }
0x22: {  	[simem:s7], [sflag:s8] =	dma.local @!p0 [hbm:s6], $0xF7A  }
0x23: {  	s9 =	sor.u32 $0xD0000000, s2;
	s6 =	simm.s32 $0x108;
	_ =	swait.ge @!p0 [sflag:s8], $0x0  }
0x24: {  	s3 =	sadd.s32 $0x88, s3;
	s6 =	simm.s32 @!p1 $0x1082;
	[sflag:s4] =	ssyncset.s32 $0xFFFFF086  }
0x25: {  	[simem:s6], [sflag:s4] =	dma.local [hbm:s3], $0xF7A  }
0x26: {  	[smem:$0x3F94] =	sst s1;
	(tag) =	ssettag s2;
	_ =	strace s9  }
0x27: {  	s1 =	sld [smem:$0x3FA4]  }
0x28: {  	s2 =	sld [smem:$0x3FA5]  }
0x29: {  	s4 =	sld [smem:$0x3FA7]  }
0x2a: {  	p0 =	seq.s32 s5, $0x0;
	s5 =	sld [smem:$0x3FA8]  }
0x2b: {  	s6 =	sld [smem:$0x3FA9]  }
0x2c: {  	s7 =	sld [smem:$0x3FAA]  }
0x2d: {  	s3 =	simm.s32 $0x108;
	s8 =	sld [smem:$0x3FAB]  }
0x2e: {  	s3 =	simm.s32 @!p0 $0x1082;
	s9 =	sld [smem:$0x3FAC]  }
0x2f: {  	lr =	sadd.s32 s0, s3;
	s0 =	sld [smem:$0x3FA3]  }
0x30: {  	s3 =	sld [smem:$0x3FA6]  }
0x31: {  	[smem:$0x3FAF] =	sst s10  }
0x32: {  	s10 =	sld [smem:$0x3FAD];
	_ =	sdelay $0x3  }
0x33: {  	p0 =	seq.s32 s10, $0x1;
	s10 =	sld [smem:$0x3FAF];
	_ =	sdelay $0x3  }
0x34: {  	[smem:$0x3FAF] =	sst s10  }
0x35: {  	s10 =	sld [smem:$0x3FAE];
	_ =	sdelay $0x3  }
0x36: {  	p1 =	seq.s32 s10, $0x1;
	s10 =	sld [smem:$0x3FAF];
	_ =	sdelay $0x3  }
0x37: {  	[smem:$0x3FAF] =	sst s10  }
0x38: {  	s10 =	sld [smem:$0x3FB0]  }
0x39: {  	_ = 	snop;
	(pc) =	sbr.ind lr, $3  }
0x3a: {  	_ = 	snop  }
0x3b: {  	_ = 	snop  }
0x3c: {  	p2 =	seq.s32 s10, $0x1;
	s10 =	sld [smem:$0x3FAF]  }
0x3d: {  	_ =	shalt  }
0x3e: {  	_ =	shalt  }
0x3f: {  	_ =	shalt  }
0x40: {  	_ =	shalt  }
0x41: {  	_ =	shalt  }
0x42: {  	_ =	shalt  }
0x43: {  	_ =	shalt  }
0x44: {  	_ =	shalt  }
0x45: {  	_ =	shalt  }
0x46: {  	_ =	shalt  }
0x47: {  	_ =	shalt  }
0x48: {  	_ =	shalt  }
0x49: {  	_ =	shalt  }
0x4a: {  	_ =	shalt  }
0x4b: {  	_ =	shalt  }
0x4c: {  	_ =	shalt  }
0x4d: {  	_ =	shalt  }
0x4e: {  	_ =	shalt  }
0x4f: {  	_ =	shalt  }
0x50: {  	_ =	shalt  }
0x51: {  	_ =	shalt  }
0x52: {  	_ =	shalt  }
0x53: {  	_ =	shalt  }
0x54: {  	_ =	shalt  }
0x55: {  	_ =	shalt  }
0x56: {  	_ =	shalt  }
0x57: {  	_ =	shalt  }
0x58: {  	_ =	shalt  }
0x59: {  	_ =	shalt  }
0x5a: {  	_ =	shalt  }
0x5b: {  	_ =	shalt  }
0x5c: {  	_ =	shalt  }
0x5d: {  	_ =	shalt  }
0x5e: {  	_ =	shalt  }
0x5f: {  	_ =	shalt  }
0x60: {  	_ =	shalt  }
0x61: {  	_ =	shalt  }
0x62: {  	_ =	shalt  }
0x63: {  	_ =	shalt  }
0x64: {  	_ =	shalt  }
0x65: {  	_ =	shalt  }
0x66: {  	_ =	shalt  }
0x67: {  	_ =	shalt  }
0x68: {  	_ =	shalt  }
0x69: {  	_ =	shalt  }
0x6a: {  	_ =	shalt  }
0x6b: {  	_ =	shalt  }
0x6c: {  	_ =	shalt  }
0x6d: {  	_ =	shalt  }
0x6e: {  	_ =	shalt  }
0x6f: {  	_ =	shalt  }
0x70: {  	_ =	shalt  }
0x71: {  	_ =	shalt  }
0x72: {  	_ =	shalt  }
0x73: {  	_ =	shalt  }
0x74: {  	_ =	shalt  }
0x75: {  	_ =	shalt  }
0x76: {  	_ =	shalt  }
0x77: {  	_ =	shalt  }
0x78: {  	_ =	shalt  }
0x79: {  	_ =	shalt  }
0x7a: {  	_ =	shalt  }
0x7b: {  	_ =	shalt  }
0x7c: {  	_ =	shalt  }
0x7d: {  	_ =	shalt  }
0x7e: {  	_ =	shalt  }
0x7f: {  	_ =	shalt  }
0x80: {  	_ =	shalt  }
0x81: {  	_ =	shalt  }
0x82: {  	_ =	shalt  }
0x83: {  	_ =	shalt  }
0x84: {  	_ =	shalt  }
0x85: {  	_ =	shalt  }
0x86: {  	_ =	shalt  }
0x87: {  	_ =	shalt  }
.Lfunc_end0:
.L_simem_size_0:
called_computation_lowered:
.L_overlay_start_0:
0x88: {  	s2 =	sld [smem:$0x3FD9]  }
0x89: {  	s3 =	sld [smem:$0x3FFE];
	_ =	sdelay $0x1  }
0x8a: {  	s1 =	srdreg.scid  }
0x8b: {  	s0 =	sand.u32 $0x1, s1  }
0x8c: {  	s30 =	sshll.u32 s0, $0xA;
	s2 =	sadd.s32 s3, s2  }
0x8d: {  	s2 =	sadd.s32 s2, s30  }
0x8e: {  	[smem:$0x3FBB] =	sst s2  }
0x8f: {  	_ = 	snop  }
0x90: {  	s2 =	sld [smem:$0x3FC9]  }
0x91: {  	s31 =	sld [smem:$0x3FC8]  }
0x92: {  	s4 =	sld [smem:$0x3FC7]  }
0x93: {  	s5 =	sld [smem:$0x3FC6]  }
0x94: {  	s6 =	sld [smem:$0x3FC5]  }
0x95: {  	s7 =	sld [smem:$0x3FC4]  }
0x96: {  	s8 =	sld [smem:$0x3FC3]  }
0x97: {  	s9 =	sld [smem:$0x3FC2]  }
0x98: {  	s10 =	sld [smem:$0x3FBF]  }
0x99: {  	s11 =	sld [smem:$0x3FBE]  }
0x9a: {  	s12 =	sld [smem:$0x3FBD]  }
0x9b: {  	s13 =	sld [smem:$0x3FD0];
	(tm) =	ssettm $0x1  }
0x9c: {  	s14 =	sld [smem:$0x3FFB];
	_ =	sdelay $0x3  }
0x9d: {  	_ =	strace s14  }
0x9e: {  	s14 =	sld [smem:$0x3FFC];
	_ =	sdelay $0x3  }
0x9f: {  	_ =	strace s14  }
0xa0: {  	s14 =	sld [smem:$0x3FFD];
	_ =	sdelay $0x3  }
0xa1: {  	_ =	strace s14  }
0xa2: {  	_ =	strace $0x8FFFFFFF  }
0xa3: {  	s19 =	sld [smem:$0x3FDB];
	_ =	sdelay $0x1  }
0xa4: {  	s15 =	simm.s32 $_scs_section_size  }
0xa5: {  	s16 =	simm.s32 $_size__tile_overlayer_lowered;
	s17 =	simm.s32 $_tile_overlayer_lowered  }
0xa6: {  	s22 =	simm.s32 $0x1BFF;
	s21 =	sshll.u32 s17, $0x1;
	s14 =	sadd.s32 s15, s19  }
0xa7: {  	s18 =	simm.s32 $0x0;
	s20 =	sshll.u32 s16, $0x1;
	s16 =	sadd.s32 s21, s14  }
0xa8: {  	[timem:s18], [sflag:s22] =	dma.local [hbm:s16], s20  }
0xa9: {  	_ =	swait.ge [sflag:s22], s20  }
0xaa: {  	s15 =	ssub.s32 $0x0, s20;
	[sflag:s22] =	ssyncset.done $0x0  }
0xab: {  	[sflag:s22] =	ssyncadd.s32 s15;
	_ =	sdelay $0x1  }
0xac: {  	s23 =	simm.s32 $0x1B8B  }
0xad: {  	_ =	swait.ge [sflag:s23], $0x1  }
0xae: {  	[sflag:s23] =	ssyncset.done $0x0  }
0xaf: {  	s25 =	simm.s32 $0x1B8E;
	s24 =	sld [smem:$0x3FFE];
	[sflag:s23] =	ssyncadd.s32 $0xFFFFFFFF  }
0xb0: {  	s26 =	simm.s32 $execute0_lowered;
	[smem:$0x3FD2] =	sst s25  }
0xb1: {  	s16 =	sshll.u32 s26, $0x1;
	_ =	strace $0x80000046;
	[dreg:$0x1] =	wrdreg $0xFFFFFFFF  }
0xb2: {  	s28 =	simm.s32 $_size_execute0_lowered;
	s14 =	sadd.s32 s14, s16;
	[dreg:$0x0] =	wrdreg $0x0  }
0xb3: {  	s16 =	sshll.u32 s28, $0x1;
	[dreg:$0x2] =	wrdreg s14  }
0xb4: {  	[dreg:$0x3] =	wrdreg s16  }
0xb5: {  	[dreg:$0x4] =	wrdreg $0xC0  }
0xb6: {  	_ =	task [dreg:s18], $0x5FFFF  }
0xb7: {  	[dreg:$0x1] =	wrdreg $0xFFFFFFFF  }
0xb8: {  	[dreg:$0x0] =	wrdreg $0x60  }
0xb9: {  	[dreg:$0x2] =	wrdreg s2  }
0xba: {  	[dreg:$0x3] =	wrdreg s31  }
0xbb: {  	[dreg:$0x4] =	wrdreg s4  }
0xbc: {  	[dreg:$0x5] =	wrdreg s5  }
0xbd: {  	[dreg:$0x6] =	wrdreg s6  }
0xbe: {  	[dreg:$0x7] =	wrdreg s7  }
0xbf: {  	[dreg:$0x8] =	wrdreg s8  }
0xc0: {  	[dreg:$0x9] =	wrdreg s9  }
0xc1: {  	[dreg:$0xa] =	wrdreg s24  }
0xc2: {  	[dreg:$0xb] =	wrdreg s10  }
0xc3: {  	[dreg:$0xc] =	wrdreg s11  }
0xc4: {  	[dreg:$0xd] =	wrdreg s12  }
0xc5: {  	[dreg:$0xe] =	wrdreg s13  }
0xc6: {  	[dreg:$0xf] =	wrdreg $0x9  }
0xc7: {  	_ =	task.clear_ibuf [dreg:s18], $0x10FFFF;
	_ =	strace $0x90000046  }
0xc8: {  	s29 =	simm.s32 $0x9;
	_ =	strace $0x80000048  }
0xc9: {  	_ =	swait.ge [sflag:s29], $0x1  }
0xca: {  	[sflag:s29] =	ssyncadd.s32 $0xFFFFFFFF  }
0xcb: {  	_ =	strace $0x90000048  }
0xcc: {  	_ =	sfence  }
0xcd: {  	s30 =	sld [smem:$0x0];
	_ =	sdelay $0x2  }
0xce: {  	s31 =	sshll.u32 s1, $0xD;
	s1 =	sshrl.u32 s1, $0x2  }
0xcf: {  	s3 =	sand.u32 $0x4000, s31;
	s1 =	sadd.s32 s1, s30  }
0xd0: {  	s0 =	sor.u32 s3, s0;
	s1 =	sshll.u32 s1, $0x11  }
0xd1: {  	s0 =	sor.u32 s1, s0  }
0xd2: {  	s0 =	sadd.s32 $0x8F2B, s0  }
0xd3: {  	[sflag:s0] =	ssyncadd.remote.s32 $0x1  }
0xd4: {  	_ =	sfence.sel $0xFFFF  }
0xd5: {  	[dreg:$0x0] =	wrdreg $0xFFFFFFFF;
	(pc) =	sbr.abs _section_cstart, $3  }
0xd6: {  	[dreg:$0x1] =	wrdreg $0xFFFFFFFF  }
0xd7: {  	_ =	task.clear_ibuf [dreg:s18], $0x2FFFF;
	_ =	strace $0x9FFFFFFF  }
0xd8: {  	(tm) =	ssettm $0x7FFFFFFF  }
0xd9: {  	_ =	shalt  }
tec
execute0_lowered:
.L_overlay_start_1:
0x0: {  	(tag) =	ssettag $0x1  }
0x1: {  	s0 =	rddreg [dreg:$0x0]  }
0x2: {  	s1 =	rddreg [dreg:$0x1]  }
0x3: {  	s2 =	rddreg [dreg:$0x2]  }
0x4: {  	s4 =	rddreg [dreg:$0x3]  }
0x5: {  	s5 =	rddreg [dreg:$0x4]  }
0x6: {  	s6 =	rddreg [dreg:$0x5]  }
0x7: {  	s3 =	rddreg [dreg:$0x8]  }
0x8: {  	s7 =	rddreg [dreg:$0xc];
	s8 =	simm.s32 $0x0  }
0x9: {  	s9 =	srdreg.scid;
	s11 =	stileid.u32;
	s18 =	simm.s32 $0x3  }
0xa: {  	s19 =	simm.s32 $0x80;
	s24 =	simm.s32 $0x100;
	s28 =	simm.s32 $0x180  }
0xb: {  	s20 =	simm.s32 $0xC00;
	s21 =	simm.s32 $0xE00;
	s22 =	simm.s32 $0x2  }
0xc: {  	vm0 =	vcmask $0x1F1C;
	vm1 =	vcmask $0xF0C;
	s23 =	simm.s32 $0x1780;
	s25 =	simm.s32 $0x1;
	s26 =	simm.s32 $0x1000  }
0xd: {  	vm2 =	vcmask $0x3F3C;
	s29 =	simm.s32 $0x0;
	[smem:$0x7FF] =	sst s8;
	s9 =	sand.u32 $0x1, s9;
	vm0 =	vmor vm1, vm0;
	vm1 =	vcmask $0x2F2C  }
0xe: {  	vm3 =	vcmask $0x1F18;
	vm4 =	vcmask $0xF08;
	s11 =	sshll.u32 s11, $0x7;
	s10 =	ssub.s32 $0x2, s9;
	s12 =	sshll.u32 s9, $0x6;
	vm1 =	vmor vm0, vm1  }
0xf: {  	vm5 =	vcmask $0xF04;
	vm6 =	vcmask $0x3F34;
	_ =	strace $0x80000047;
	s13 =	sshrl.u32 s10, $0x1;
	s16 =	sor.u32 s12, s11;
	vm1 =	vmor vm1, vm2  }
0x10: {  	s9 =	sadd.s32 $0x3200, s3;
	vm2 =	vmor vm4, vm3;
	vm3 =	vcmask $0x2F28;
	vm4 =	vcmask $0x1F14;
	s17 =	ssub.s32 s10, s13;
	s10 =	sadd.s32 s4, s16  }
0x11: {  	s11 =	sadd.s32 s0, s16;
	s12 =	sadd.s32 s1, s16;
	s13 =	sadd.s32 s2, s16;
	vm2 =	vmor vm2, vm3;
	vm3 =	vmor vm5, vm4;
	vm4 =	vcmask $0x2F24  }
0x12: {  	vm0 =	vcmask $0x3F20;
	s14 =	sadd.s32 s5, s16;
	s15 =	sadd.s32 s6, s16;
	s16 =	sadd.s32 s7, s16;
	vm5 =	vcmask $0x3F38;
	vm4 =	vmor vm3, vm4  }
0x13: {  	s0 =	simm.s32 $0x1680;
	s2 =	simm.s32 $0x1700;
	s17 =	smax.u32 s17, $0x1;
	vm2 =	vmor vm2, vm5;
	vm3 =	vcmask $0x3F10;
	vm4 =	vmor vm4, vm6  }
.LBB2_1:
0x14: {  	[tilespmem:s8], [sflag:$0x3] =	stream.linear.gather [hbm4b:s10+s8], $0x200, $0x38;
	[tilespmem:$0x1800] =	vst v63  }
0x15: {  	_ =	swait.ge [sflag:s18], $0x200  }
0x16: {  	[sflag:s18] =	ssyncset.done $0x0  }
0x17: {  	s1 =	simm.s32 $0x200;
	[sflag:s18] =	ssyncadd.s32 $0xFFFFFE00  }
0x18: {  	[tilespmem:s1], [sflag:$0x1] =	stream.indirect.gather [hbm4b:s3+s19], $0x1, s8, s19, $0xb8;
	[tilespmem:$0x1800] =	vst v63  }
0x19: {  	s6 =	simm.s32 $0x400  }
0x1a: {  	[tilespmem:s6], [sflag:$0x1] =	stream.indirect.gather [hbm4b:s9+s19], $0x1, s8, s19, $0xb8;
	[tilespmem:$0x1800] =	vst v63  }
0x1b: {  	s7 =	simm.s32 $0x280  }
0x1c: {  	[tilespmem:s7], [sflag:$0x1] =	stream.indirect.gather [hbm4b:s3+s19], $0x1, s19, s19, $0xb8;
	[tilespmem:$0x1800] =	vst v63  }
0x1d: {  	s4 =	simm.s32 $0x480  }
0x1e: {  	[tilespmem:s4], [sflag:$0x1] =	stream.indirect.gather [hbm4b:s9+s19], $0x1, s19, s19, $0xb8;
	[tilespmem:$0x1800] =	vst v63  }
0x1f: {  	s5 =	simm.s32 $0x300  }
0x20: {  	[tilespmem:s5], [sflag:$0x1] =	stream.indirect.gather [hbm4b:s3+s19], $0x1, s24, s19, $0xb8;
	[tilespmem:$0x1800] =	vst v63  }
0x21: {  	s6 =	simm.s32 $0x500  }
0x22: {  	[tilespmem:s6], [sflag:$0x1] =	stream.indirect.gather [hbm4b:s9+s19], $0x1, s24, s19, $0xb8;
	[tilespmem:$0x1800] =	vst v63  }
0x23: {  	s7 =	simm.s32 $0x380  }
0x24: {  	[tilespmem:s7], [sflag:$0x1] =	stream.indirect.gather [hbm4b:s3+s19], $0x1, s28, s19, $0xb8;
	[tilespmem:$0x1800] =	vst v63  }
0x25: {  	s4 =	simm.s32 $0x580  }
0x26: {  	[tilespmem:s4], [sflag:$0x1] =	stream.indirect.gather [hbm4b:s9+s19], $0x1, s28, s19, $0xb8;
	[tilespmem:$0x1800] =	vst v63  }
0x27: {  	s5 =	rddreg [dreg:$0x9];
	s4 =	simm.s32 $0x1200  }
0x28: {  	[tilespmem:s4], [sflag:$0x2] =	stream.linear.gather [hbm4b:s5+s8], $0x180, $0x38;
	[tilespmem:$0x1800] =	vst v63  }
0x29: {  	s6 =	rddreg [dreg:$0xa];
	s7 =	simm.s32 $0x1400  }
0x2a: {  	[tilespmem:s7], [sflag:$0x2] =	stream.linear.gather [hbm4b:s6+s8], $0x200, $0x38;
	[tilespmem:$0x1800] =	vst v63  }
0x2b: {  	s5 =	rddreg [dreg:$0xb];
	s6 =	simm.s32 $0x1600  }
0x2c: {  	[tilespmem:s6], [sflag:$0x2] =	stream.linear.gather [hbm4b:s5+s8], $0x80, $0x38;
	[tilespmem:$0x1800] =	vst v63  }
0x2d: {  	s7 =	rddreg [dreg:$0x6]  }
0x2e: {  	[tilespmem:s0], [sflag:$0x2] =	stream.linear.gather [hbm4b:s7+s8], $0x80, $0x38;
	[tilespmem:$0x1800] =	vst v63  }
0x2f: {  	s4 =	rddreg [dreg:$0x7]  }
0x30: {  	[tilespmem:s2], [sflag:$0x2] =	stream.linear.gather [hbm4b:s4+s8], $0x80, $0x38;
	[tilespmem:$0x1800] =	vst v63  }
0x31: {  	s5 =	simm.s32 $0x600  }
0x32: {  	[tilespmem:s5], [sflag:$0x2] =	stream.linear.gather [hbm4b:s11+s8], $0x200, $0x38;
	[tilespmem:$0x1800] =	vst v63  }
0x33: {  	s6 =	simm.s32 $0x800  }
0x34: {  	[tilespmem:s6], [sflag:$0x2] =	stream.linear.gather [hbm4b:s12+s8], $0x200, $0x38;
	[tilespmem:$0x1800] =	vst v63  }
0x35: {  	s7 =	simm.s32 $0xA00  }
0x36: {  	[tilespmem:s7], [sflag:$0x2] =	stream.linear.gather [hbm4b:s13+s8], $0x200, $0x38;
	[tilespmem:$0x1800] =	vst v63  }
0x37: {  	_ = 	snop  }
0x38: {  	[tilespmem:s20], [sflag:$0x2] =	stream.linear.gather [hbm4b:s14+s8], $0x200, $0x38;
	[tilespmem:$0x1800] =	vst v63  }
0x39: {  	_ = 	snop  }
0x3a: {  	[tilespmem:s21], [sflag:$0x2] =	stream.linear.gather [hbm4b:s15+s8], $0x200, $0x38;
	[tilespmem:$0x1800] =	vst v63  }
0x3b: {  	_ =	swait.ge [sflag:s22], $0x180  }
0x3c: {  	[sflag:s22] =	ssyncset.done $0x0  }
0x3d: {  	[sflag:s22] =	ssyncadd.s32 $0xFFFFFE80  }
0x3e: {  	_ =	swait.ge [sflag:s22], $0x200  }
0x3f: {  	[sflag:s22] =	ssyncset.done $0x0  }
0x40: {  	[sflag:s22] =	ssyncadd.s32 $0xFFFFFE00  }
0x41: {  	_ =	swait.ge [sflag:s22], $0x80  }
0x42: {  	[sflag:s22] =	ssyncset.done $0x0  }
0x43: {  	[sflag:s22] =	ssyncadd.s32 $0xFFFFFF80  }
0x44: {  	_ =	swait.ge [sflag:s22], $0x80  }
0x45: {  	[sflag:s22] =	ssyncset.done $0x0  }
0x46: {  	[sflag:s22] =	ssyncadd.s32 $0xFFFFFF80  }
0x47: {  	_ =	swait.ge [sflag:s22], $0x80  }
0x48: {  	[sflag:s22] =	ssyncset.done $0x0  }
0x49: {  	[sflag:s22] =	ssyncadd.s32 $0xFFFFFF80  }
0x4a: {  	_ =	swait.ge [sflag:s22], $0x200  }
0x4b: {  	[sflag:s22] =	ssyncset.done $0x0  }
0x4c: {  	[sflag:s22] =	ssyncadd.s32 $0xFFFFFE00  }
0x4d: {  	_ =	swait.ge [sflag:s22], $0x200  }
0x4e: {  	[sflag:s22] =	ssyncset.done $0x0  }
0x4f: {  	[sflag:s22] =	ssyncadd.s32 $0xFFFFFE00  }
0x50: {  	_ =	swait.ge [sflag:s22], $0x200  }
0x51: {  	[sflag:s22] =	ssyncset.done $0x0  }
0x52: {  	[sflag:s22] =	ssyncadd.s32 $0xFFFFFE00  }
0x53: {  	_ =	swait.ge [sflag:s22], $0x200  }
0x54: {  	[sflag:s22] =	ssyncset.done $0x0  }
0x55: {  	[sflag:s22] =	ssyncadd.s32 $0xFFFFFE00  }
0x56: {  	_ =	swait.ge [sflag:s22], $0x200  }
0x57: {  	[sflag:s22] =	ssyncset.done $0x0  }
0x58: {  	[sflag:s22] =	ssyncadd.s32 $0xFFFFFE00  }
0x59: {  	v0 =	vld [tilespmem:$0x1200]  }
0x5a: {  	v1 =	vld [tilespmem:$0x1600]  }
0x5b: {  	v2 =	vld [tilespmem:$0x1210]  }
0x5c: {  	v3 =	vld [tilespmem:$0x1610]  }
0x5d: {  	v4 =	vld [tilespmem:$0x1220]  }
0x5e: {  	v5 =	vld [tilespmem:$0x1620]  }
0x5f: {  	v6 =	vld [tilespmem:$0x1230]  }
0x60: {  	v7 =	vld [tilespmem:$0x1630]  }
0x61: {  	v8 =	vld [tilespmem:$0x1280]  }
0x62: {  	v9 =	vld [tilespmem:$0x1290]  }
0x63: {  	v10 =	vld [tilespmem:$0x12A0]  }
0x64: {  	v11 =	vld [tilespmem:$0x12B0]  }
0x65: {  	v12 =	vld [tilespmem:$0x1300]  }
0x66: {  	v13 =	vld [tilespmem:$0x1310]  }
0x67: {  	v16 =	vld [tilespmem:$0x1400]  }
0x68: {  	v17 =	vld [tilespmem:$0x1640]  }
0x69: {  	v18 =	vld [tilespmem:$0x1410]  }
0x6a: {  	v19 =	vld [tilespmem:$0x1650]  }
0x6b: {  	v20 =	vld [tilespmem:$0x1420]  }
0x6c: {  	v21 =	vld [tilespmem:$0x1660]  }
0x6d: {  	v22 =	vld [tilespmem:$0x1430]  }
0x6e: {  	v23 =	vld [tilespmem:$0x1670]  }
0x6f: {  	v24 =	vld [tilespmem:$0x1490]  }
0x70: {  	v37 =	vld [tilespmem:$0x14A0];
	v0 =	vmul.f32 v1, v0  }
0x71: {  	v39 =	vld [tilespmem:$0x1510];
	v2 =	vmul.f32 v3, v2;
	v8 =	vmul.f32 v8, v1  }
0x72: {  	v40 =	vld [tilespmem:$0x1580];
	v9 =	vmul.f32 v9, v3;
	v1 =	vmul.f32 v12, v1  }
0x73: {  	v43 =	vld [tilespmem:$0x1590];
	v38 =	vmul.f32 v10, v5;
	v0 =	vadd.f32 v2, v0;
	v2 =	vmul.f32 v5, v4  }
0x74: {  	v36 =	vld [tilespmem:$0x1480];
	v41 =	vmul.f32 v17, v16;
	v42 =	vmul.f32 v19, v18  }
0x75: {  	v45 =	vld [tilespmem:$0x1520];
	v44 =	vmul.f32 v24, v19;
	v0 =	vadd.f32 v2, v0;
	v2 =	vmul.f32 v7, v6  }
0x76: {  	v14 =	vld [tilespmem:$0x1320];
	v47 =	vmul.f32 v21, v20;
	v49 =	vmul.f32 v37, v21  }
0x77: {  	v52 =	vmul.f32 v39, v19;
	v0 =	vadd.f32 v2, v0;
	v2 =	vmul.f32 v13, v3;
	v3 =	vld [tilespmem:$0x1500]  }
0x78: {  	v15 =	vld [tilespmem:$0x1330];
	v54 =	vmul.f32 v40, v17;
	v55 =	vmul.f32 v43, v19;
	v8 =	vadd.f32 v9, v8  }
0x79: {  	v48 =	vld [tilespmem:$0x15A0];
	v56 =	vmul.f32 v23, v22;
	v4 =	vmul.f32 v36, v17  }
0x7a: {  	v25 =	vld [tilespmem:$0x14B0];
	v57 =	vmul.f32 v45, v21;
	v46 =	vadd.f32 v42, v41;
	v8 =	vadd.f32 v38, v8  }
0x7b: {  	v50 =	vld [tilespmem:$0x1530];
	v5 =	vmul.f32 v14, v5;
	v4 =	vadd.f32 v44, v4;
	v1 =	vadd.f32 v2, v1  }
0x7c: {  	v53 =	vld [tilespmem:$0x15B0];
	v51 =	vadd.f32 v47, v46;
	v2 =	vmul.f32 v11, v7;
	v3 =	vmul.f32 v3, v17  }
0x7d: {  	v4 =	vadd.f32 v49, v4;
	v7 =	vmul.f32 v15, v7;
	v1 =	vadd.f32 v5, v1  }
0x7e: {  	v58 =	vmul.f32 v48, v21;
	v2 =	vadd.f32 v2, v8;
	v3 =	vadd.f32 v52, v3  }
0x7f: {  	v59 =	vmul.f32 v25, v23;
	(xrf2) =	vadd.scan.msk.f32 $0xffff, v0;
	v0 =	vadd.f32 v55, v54;
	v1 =	vadd.f32 v7, v1  }
0x80: {  	v6 =	vmul.f32 v50, v23;
	(xrf2) =	vadd.scan.msk.f32 $0xffff, v2;
	v2 =	vadd.f32 v56, v51;
	v3 =	vadd.f32 v57, v3  }
0x81: {  	v60 =	vmul.f32 v53, v23;
	v0 =	vadd.f32 v58, v0;
	(xrf2) =	vadd.scan.msk.f32 $0xffff, v1;
	v1 =	vadd.f32 v59, v4  }
0x82: {  	(xrf2) =	vadd.scan.msk.f32 $0xffff, v2;
	v2 =	vadd.f32 v6, v3  }
0x83: {  	v0 =	vadd.f32 v60, v0;
	(xrf2) =	vadd.scan.msk.f32 $0xffff, v1  }
0x84: {  	(xrf2) =	vadd.scan.msk.f32 $0xffff, v2  }
0x85: {  	(xrf2) =	vadd.scan.msk.f32 $0xffff, v0;
	_ =	sdelay $0x3  }
0x86: {  	v0, _, _ =	vpop (xrf2)  }
0x87: {  	v1, _, _ =	vpop (xrf2)  }
0x88: {  	v2, _, _ =	vpop (xrf2)  }
0x89: {  	v3, _, _ =	vpop (xrf2)  }
0x8a: {  	v61, _, _ =	vpop (xrf2)  }
0x8b: {  	v62, _, _ =	vpop (xrf2)  }
0x8c: {  	v1 =	vbroadcast v1, $0xF;
	v63, _, _ =	vpop (xrf2)  }
0x8d: {  	v5 =	vbroadcast v62, $0xF;
	v6 =	vbroadcast v63, $0xF  }
0x8e: {  	v2 =	vbroadcast v2, $0xF;
	v4 =	vbroadcast v61, $0xF  }
0x8f: {  	v0 =	vbroadcast v0, $0xF;
	v3 =	vbroadcast v3, $0xF;
	v5 =	vsel vm1, v6, v5  }
0x90: {  	v1 =	vsel vm0, v2, v1;
	v2 =	vsel vm2, v5, v4  }
0x91: {  	v0 =	vsel vm3, v1, v0;
	v1 =	vsel vm4, v2, v3  }
0x92: {  	v0 =	vadd.f32 v1, v0;
	_ =	sdelay $0x1  }
0x93: {  	s30 =	simm.s32 $0xA20;
	[tilespmem:$0x1780] =	vst v0  }
0x94: {  	s31 =	simm.s32 $0xE20;
	s1 =	simm.s32 $0xFFFFFFFC;
	s4 =	simm.s32 $0x1020;
	v0 =	vld.msk [tilespmem:s0+$0x0], $0xffff  }
0x95: {  	s5 =	simm.s32 $0x820;
	s6 =	simm.s32 $0xC20;
	s7 =	simm.s32 $0x620;
	v1 =	vld.msk [tilespmem:s2+$0x0], $0xffff  }
.LBB2_2:
0x96: {  	v2 =	vld [tilespmem:s6+$0xFFFFFFE0]  }
0x97: {  	v3 =	vld [tilespmem:s31+$0xFFFFFFE0];
	_ =	sdelay $0x3  }
0x98: {  	v4 =	vld [tilespmem:s7+$0xFFFFFFE0];
	v2 =	vshll.u32 v2, $0x2  }
0x99: {  	v5 =	vld [tilespmem:s5+$0xFFFFFFE0];
	v2 =	vadd.s32 v3, v2  }
0x9a: {  	v3 =	vld [tilespmem:s30+$0xFFFFFFE0];
	_ =	sdelay $0x2  }
0x9b: {  	v4 =	vmul.f32 v4, v0  }
0x9c: {  	v2 =	vld.idx.msk [tilespmem:v2+s23+$0x0], $0xffff  }
0x9d: {  	v54 =	vmul.f32 v5, v1;
	v3 =	vadd.f32 v4, v3;
	_ =	sdelay $0x1  }
0x9e: {  	v3 =	vadd.f32 v54, v3;
	_ =	sdelay $0x1  }
0x9f: {  	v2 =	vadd.f32 v3, v2;
	_ =	sdelay $0x1  }
0xa0: {  	[tilespmem:s4+$0xFFFFFFE0] =	vst v2  }
0xa1: {  	v2 =	vld [tilespmem:s6+$0xFFFFFFF0]  }
0xa2: {  	v3 =	vld [tilespmem:s31+$0xFFFFFFF0];
	_ =	sdelay $0x3  }
0xa3: {  	v55 =	vld [tilespmem:s7+$0xFFFFFFF0];
	v2 =	vshll.u32 v2, $0x2  }
0xa4: {  	v56 =	vld [tilespmem:s5+$0xFFFFFFF0];
	v2 =	vadd.s32 v3, v2  }
0xa5: {  	v3 =	vld [tilespmem:s30+$0xFFFFFFF0];
	_ =	sdelay $0x2  }
0xa6: {  	v4 =	vmul.f32 v55, v0  }
0xa7: {  	v2 =	vld.idx.msk [tilespmem:v2+s23+$0x0], $0xffff  }
0xa8: {  	v57 =	vmul.f32 v56, v1;
	v3 =	vadd.f32 v4, v3;
	_ =	sdelay $0x1  }
0xa9: {  	v3 =	vadd.f32 v57, v3;
	_ =	sdelay $0x1  }
0xaa: {  	v2 =	vadd.f32 v3, v2;
	_ =	sdelay $0x1  }
0xab: {  	[tilespmem:s4+$0xFFFFFFF0] =	vst v2  }
0xac: {  	v2 =	vld [tilespmem:s6+$0x0]  }
0xad: {  	v3 =	vld [tilespmem:s31+$0x0];
	_ =	sdelay $0x3  }
0xae: {  	v58 =	vld [tilespmem:s7+$0x0];
	v2 =	vshll.u32 v2, $0x2  }
0xaf: {  	v59 =	vld [tilespmem:s5+$0x0];
	v2 =	vadd.s32 v3, v2  }
0xb0: {  	v3 =	vld [tilespmem:s30+$0x0];
	_ =	sdelay $0x2  }
0xb1: {  	v4 =	vmul.f32 v58, v0  }
0xb2: {  	v2 =	vld.idx.msk [tilespmem:v2+s23+$0x0], $0xffff  }
0xb3: {  	v60 =	vmul.f32 v59, v1;
	v3 =	vadd.f32 v4, v3;
	_ =	sdelay $0x1  }
0xb4: {  	v3 =	vadd.f32 v60, v3;
	_ =	sdelay $0x1  }
0xb5: {  	v2 =	vadd.f32 v3, v2;
	_ =	sdelay $0x1  }
0xb6: {  	[tilespmem:s4+$0x0] =	vst v2  }
0xb7: {  	v2 =	vld [tilespmem:s6+$0x10]  }
0xb8: {  	v3 =	vld [tilespmem:s31+$0x10];
	_ =	sdelay $0x3  }
0xb9: {  	v61 =	vld [tilespmem:s7+$0x10];
	v2 =	vshll.u32 v2, $0x2  }
0xba: {  	v62 =	vld [tilespmem:s5+$0x10];
	v2 =	vadd.s32 v3, v2  }
0xbb: {  	v3 =	vld [tilespmem:s30+$0x10];
	_ =	sdelay $0x2  }
0xbc: {  	v4 =	vmul.f32 v61, v0  }
0xbd: {  	v2 =	vld.idx.msk [tilespmem:v2+s23+$0x0], $0xffff  }
0xbe: {  	s1 =	sadd.s32 $0x4, s1;
	v63 =	vmul.f32 v62, v1;
	v3 =	vadd.f32 v4, v3  }
0xbf: {  	p0 =	slt.u32 s1, $0x1C  }
.Ltmp0:
0xc0: {  	v3 =	vadd.f32 v63, v3;
	(pc) =	sbr.rel @p0 .LBB2_2-.Ltmp0, $4  }
0xc1: {  	_ = 	snop  }
0xc2: {  	v2 =	vadd.f32 v3, v2  }
0xc3: {  	s5 =	sadd.s32 $0x40, s5;
	s7 =	sadd.s32 $0x40, s7;
	s31 =	sadd.s32 $0x40, s31  }
0xc4: {  	s6 =	sadd.s32 $0x40, s6;
	s30 =	sadd.s32 $0x40, s30;
	[tilespmem:s4+$0x10] =	vst v2;
	s4 =	sadd.s32 $0x40, s4  }
0xc5: {  	_ =	swait.ge [sflag:s25], $0x80  }
0xc6: {  	[sflag:s25] =	ssyncset.done $0x0  }
0xc7: {  	[sflag:s25] =	ssyncadd.s32 $0xFFFFFF80  }
0xc8: {  	_ =	swait.ge [sflag:s25], $0x80  }
0xc9: {  	[sflag:s25] =	ssyncset.done $0x0  }
0xca: {  	[sflag:s25] =	ssyncadd.s32 $0xFFFFFF80  }
0xcb: {  	_ =	swait.ge [sflag:s25], $0x80  }
0xcc: {  	[sflag:s25] =	ssyncset.done $0x0  }
0xcd: {  	[sflag:s25] =	ssyncadd.s32 $0xFFFFFF80  }
0xce: {  	_ =	swait.ge [sflag:s25], $0x80  }
0xcf: {  	[sflag:s25] =	ssyncset.done $0x0  }
0xd0: {  	[sflag:s25] =	ssyncadd.s32 $0xFFFFFF80  }
0xd1: {  	_ =	swait.ge [sflag:s25], $0x80  }
0xd2: {  	[sflag:s25] =	ssyncset.done $0x0  }
0xd3: {  	[sflag:s25] =	ssyncadd.s32 $0xFFFFFF80  }
0xd4: {  	_ =	swait.ge [sflag:s25], $0x80  }
0xd5: {  	[sflag:s25] =	ssyncset.done $0x0  }
0xd6: {  	[sflag:s25] =	ssyncadd.s32 $0xFFFFFF80  }
0xd7: {  	_ =	swait.ge [sflag:s25], $0x80  }
0xd8: {  	[sflag:s25] =	ssyncset.done $0x0  }
0xd9: {  	[sflag:s25] =	ssyncadd.s32 $0xFFFFFF80  }
0xda: {  	_ =	swait.ge [sflag:s25], $0x80  }
0xdb: {  	[sflag:s25] =	ssyncset.done $0x0  }
0xdc: {  	s30 =	simm.s32 $0x1020;
	[sflag:s25] =	ssyncadd.s32 $0xFFFFFF80  }
0xdd: {  	s31 =	simm.s32 $0x620;
	v0 =	vld [tilespmem:s30+$0xFFFFFFE0]  }
0xde: {  	s1 =	simm.s32 $0x420;
	v1 =	vld [tilespmem:s31+$0xFFFFFFE0]  }
0xdf: {  	s4 =	simm.s32 $0x220;
	v2 =	vld [tilespmem:s1+$0xFFFFFFE0]  }
0xe0: {  	v3 =	vld [tilespmem:s4+$0xFFFFFFE0];
	_ =	sdelay $0x4  }
0xe1: {  	v0 =	vadd.f32 v3, v0;
	v1 =	vmul.f32 v1, v2;
	_ =	sdelay $0x1  }
0xe2: {  	v0 =	vadd.f32 v1, v0;
	_ =	sdelay $0x1  }
0xe3: {  	[tilespmem:s30+$0xFFFFFFE0] =	vst v0;
	v0 =	vld [tilespmem:s30+$0xFFFFFFF0]  }
0xe4: {  	v1 =	vld [tilespmem:s31+$0xFFFFFFF0]  }
0xe5: {  	v2 =	vld [tilespmem:s4+$0xFFFFFFF0]  }
0xe6: {  	v3 =	vld [tilespmem:s1+$0xFFFFFFF0];
	_ =	sdelay $0x4  }
0xe7: {  	v0 =	vadd.f32 v2, v0;
	v1 =	vmul.f32 v1, v3;
	_ =	sdelay $0x1  }
0xe8: {  	v0 =	vadd.f32 v1, v0;
	_ =	sdelay $0x1  }
0xe9: {  	[tilespmem:s30+$0xFFFFFFF0] =	vst v0;
	v0 =	vld [tilespmem:s30+$0x0]  }
0xea: {  	v1 =	vld [tilespmem:s4+$0x0]  }
0xeb: {  	v2 =	vld [tilespmem:s1+$0x0]  }
0xec: {  	v3 =	vld [tilespmem:s31+$0x0];
	_ =	sdelay $0x4  }
0xed: {  	v0 =	vadd.f32 v1, v0;
	v1 =	vmul.f32 v3, v2;
	_ =	sdelay $0x1  }
0xee: {  	v0 =	vadd.f32 v1, v0;
	_ =	sdelay $0x1  }
0xef: {  	v1 =	vld [tilespmem:s30+$0x10];
	[tilespmem:s30+$0x0] =	vst v0  }
0xf0: {  	v2 =	vld [tilespmem:s4+$0x10]  }
0xf1: {  	v0 =	vld [tilespmem:s31+$0x10]  }
0xf2: {  	v3 =	vld [tilespmem:s1+$0x10];
	_ =	sdelay $0x1  }
0xf3: {  	s7 =	simm.s32 $0x0;
	s5 =	simm.s32 $0x1060;
	s4 =	simm.s32 $0x260  }
.LBB2_4:
0xf4: {  	s7 =	sadd.s32 $0x4, s7;
	v1 =	vadd.f32 v2, v1;
	s31 =	sadd.s32 $0x40, s31;
	s1 =	sadd.s32 $0x40, s1  }
0xf5: {  	p0 =	slt.u32 s7, $0x1C  }
0xf6: {  	v0 =	vmul.f32 v0, v3;
	_ =	sdelay $0x1  }
0xf7: {  	v0 =	vadd.f32 v0, v1;
	_ =	sdelay $0x1  }
0xf8: {  	v1 =	vld [tilespmem:s5+$0xFFFFFFE0];
	[tilespmem:s30+$0x10] =	vst v0;
	s30 =	smov.u32 s5  }
0xf9: {  	v0 =	vld [tilespmem:s31+$0xFFFFFFE0]  }
0xfa: {  	v2 =	vld [tilespmem:s1+$0xFFFFFFE0]  }
0xfb: {  	v3 =	vld [tilespmem:s4+$0xFFFFFFE0];
	_ =	sdelay $0x4  }
0xfc: {  	v0 =	vmul.f32 v0, v2;
	v1 =	vadd.f32 v3, v1;
	_ =	sdelay $0x1  }
0xfd: {  	v0 =	vadd.f32 v0, v1;
	_ =	sdelay $0x1  }
0xfe: {  	[tilespmem:s5+$0xFFFFFFE0] =	vst v0;
	v0 =	vld [tilespmem:s5+$0xFFFFFFF0]  }
0xff: {  	v1 =	vld [tilespmem:s31+$0xFFFFFFF0]  }
0x100: {  	v2 =	vld [tilespmem:s4+$0xFFFFFFF0]  }
0x101: {  	v3 =	vld [tilespmem:s1+$0xFFFFFFF0];
	_ =	sdelay $0x3  }
0x102: {  	v0 =	vadd.f32 v2, v0  }
0x103: {  	v1 =	vmul.f32 v1, v3;
	_ =	sdelay $0x1  }
0x104: {  	v0 =	vadd.f32 v1, v0;
	_ =	sdelay $0x1  }
0x105: {  	[tilespmem:s5+$0xFFFFFFF0] =	vst v0;
	v0 =	vld [tilespmem:s5+$0x0]  }
0x106: {  	v1 =	vld [tilespmem:s4+$0x0]  }
0x107: {  	v2 =	vld [tilespmem:s1+$0x0]  }
0x108: {  	v3 =	vld [tilespmem:s31+$0x0];
	_ =	sdelay $0x4  }
0x109: {  	v0 =	vadd.f32 v1, v0;
	v1 =	vmul.f32 v3, v2;
	_ =	sdelay $0x1  }
0x10a: {  	v0 =	vadd.f32 v1, v0;
	_ =	sdelay $0x1  }
0x10b: {  	[tilespmem:s5+$0x0] =	vst v0;
	v1 =	vld [tilespmem:s5+$0x10]  }
.Ltmp1:
0x10c: {  	v2 =	vld [tilespmem:s4+$0x10];
	(pc) =	sbr.rel @p0 .LBB2_4-.Ltmp1, $3  }
0x10d: {  	v0 =	vld [tilespmem:s31+$0x10]  }
0x10e: {  	v3 =	vld [tilespmem:s1+$0x10];
	_ =	sdelay $0x1  }
0x10f: {  	s5 =	sadd.s32 $0x40, s5;
	s4 =	sadd.s32 $0x40, s4  }
0x110: {  	_ =	sdelay $0x1  }
0x111: {  	v1 =	vadd.f32 v2, v1;
	v0 =	vmul.f32 v0, v3;
	_ =	sdelay $0x1  }
0x112: {  	s29 =	sadd.s32 $0x1, s29;
	v0 =	vadd.f32 v0, v1  }
0x113: {  	p0 =	sne.s32 s29, s17  }
.Ltmp2:
0x114: {  	[tilespmem:s30+$0x10] =	vst v0;
	(pc) =	sbr.rel @p0 .LBB2_1-.Ltmp2, $4  }
0x115: {  	[hbm4b:s16+s8] =	stream.linear.scatter [tilespmem:s26], [sflag:$0x3], $0x200, $0x38;
	[tilespmem:$0x1800] =	vst v63  }
0x116: {  	_ =	swait.ge [sflag:s18], $0x200  }
0x117: {  	[sflag:s18] =	ssyncset.done $0x0  }
0x118: {  	[sflag:s18] =	ssyncadd.s32 $0xFFFFFE00  }
0x119: {  	_ =	sfence.sel $0x180000  }
0x11a: {  	[bflag:$0x0] =	sbarrier.arrive $0xFFFF  }
0x11b: {  	_ =	strace $0x90000047  }
0x11c: {  	s0 =	stileid.u32;
	[bflag:$0x2] =	sbarrier.arrive $0xFFFF  }
0x11d: {  	p0 =	sne.s32 s0, $0x0;
	s0 =	rddreg [dreg:$0xd]  }
0x11e: {  	s0 =	sadd.s32 @!p0 $0x100000, s0  }
0x11f: {  	[sflag:s0] =	ssyncadd.tile.s32 @!p0 $0x1;
	_ =	shalt  }
.Lfunc_end2:
_tile_overlayer_lowered:
.L_overlay_start_2:
0x120: {  	(tag) =	ssettag $0x2  }
0x121: {  	s0 =	rddreg [dreg:$0x0];
	s2 =	stileid.u32  }
0x122: {  	s1 =	rddreg [dreg:$0x1];
	p0 =	sne.s32 s2, $0x0  }
0x123: {  	s3 =	rddreg [dreg:$0x2];
	[bflag:$0x3] =	sbarrier.arrive $0xFFFF;
	s2 =	simm.s32 @!p0 $0x1C03  }
0x124: {  	[timem:s3], [sflag:s2] =	dma.local @!p0 [hbm:s0], s1  }
0x125: {  	s0 =	simm.s32 @!p0 $0x3  }
0x126: {  	_ =	swait.ge @!p0 [sflag:s0], s1  }
0x127: {  	s1 =	ssub.s32 @!p0 $0x0, s1;
	[sflag:s0] =	ssyncset.done @!p0 $0x0  }
0x128: {  	[sflag:s0] =	ssyncadd.s32 @!p0 s1  }
0x129: {  	[bflag:$0x3] =	sbarrier.arrive $0xFFFF  }
0x12a: {  	_ =	shalt  }

</sc_bundles>
